<compile_context>
chip_gen: v7x
topology: tpu7x:2x2x1
jax: 0.10.2.dev20260603
libtpu: 0.0.44.dev20260713+nightly
codegen_flags: <defaults>
</compile_context>

<pallas_src>
import functools

import jax
import jax.numpy as jnp
from jax import lax
from jax.experimental import pallas as pl
from jax.experimental.pallas import tpu as pltpu
from jax.experimental.pallas import tpu_sc as plsc

_NUM_CORES = 2
_NUM_SUBCORES = 16
_NUM_WORKERS = _NUM_CORES * _NUM_SUBCORES
_LANES = 16


def _sc_gather_sum(idx, table_t, n_valid, rpw, tail_start):
    emb, vocab = table_t.shape
    mesh = plsc.VectorSubcoreMesh(core_axis_name="c", subcore_axis_name="s")

    @functools.partial(
        pl.kernel,
        mesh=mesh,
        out_type=jax.ShapeDtypeStruct((_NUM_WORKERS, emb), jnp.float32),
        compiler_params=pltpu.CompilerParams(
            use_tc_tiling_on_sc=True, needs_layout_passes=False),
        scratch_types=[
            pltpu.VMEM((_LANES,), jnp.int32),
            pltpu.VMEM((rpw, emb, 128), jnp.float32),
            pltpu.VMEM((_LANES,), jnp.int32),
            pltpu.VMEM((_LANES,), jnp.int32),
            pltpu.VMEM((emb,), jnp.float32),
            pltpu.SemaphoreType.DMA,
        ],
    )
    def gather_sum(idx_hbm, table_hbm, out_hbm,
                   idx_v, blocks_v, offs_v, uses_v, acc_v, sem):
        wid = lax.axis_index("s") * _NUM_CORES + lax.axis_index("c")
        base = wid * rpw
        stage_base = jnp.minimum(base, ((n_valid - rpw) // 8) * 8)
        pltpu.sync_copy(idx_hbm.at[pl.ds(pl.multiple_of(stage_base, 8), rpw)],
                        idx_v.at[pl.ds(0, rpw)])
        v16 = jnp.clip(idx_v[...], 0, vocab - 1)
        lane = lax.iota(jnp.int32, _LANES)
        offv = jnp.zeros((_LANES,), jnp.int32)
        usev = jnp.zeros((_LANES,), jnp.int32)
        copies, uses = [], []
        for j in range(rpw):
            idx_j = jnp.sum(jnp.where(lane == j, v16, 0))
            use_j = jnp.logical_and(base + j < n_valid, idx_j < tail_start)
            start_j = jnp.where(use_j, (idx_j >> 7) << 7, 0)
            onehot = lane == j
            offv = jnp.where(onehot, idx_j & 127, offv)
            usev = jnp.where(jnp.logical_and(onehot, use_j), 1, usev)
            uses.append(use_j)
            cp = pltpu.make_async_copy(
                table_hbm.at[:, pl.ds(pl.multiple_of(start_j, 128), 128)],
                blocks_v.at[j], sem)
            copies.append(cp)

            @pl.when(use_j)
            def _(cp=cp):
                cp.start()

        offs_v[...] = offv
        uses_v[...] = usev
        for j in range(rpw):

            @pl.when(uses[j])
            def _(cp=copies[j]):
                cp.wait()

        nchunk = emb // _LANES

        def body(j, accs):
            jv = jnp.broadcast_to(j, (_LANES,))
            ov = plsc.load_gather(offs_v, [jv])
            uv = plsc.load_gather(uses_v, [jv]) > 0
            return tuple(
                accs[c] + jnp.where(
                    uv,
                    plsc.load_gather(blocks_v, [jv, lane + c * _LANES, ov]),
                    0.0)
                for c in range(nchunk))

        accs = lax.fori_loop(
            0, rpw, body,
            tuple(jnp.zeros((_LANES,), jnp.float32) for _ in range(nchunk)))
        for c in range(nchunk):
            acc_v[pl.ds(c * _LANES, _LANES)] = accs[c]
        pltpu.sync_copy(acc_v, out_hbm.at[wid])

    return gather_sum(idx, table_t)


def _tc_matvec(img_ref, wrow_ref, b_ref, out_ref):
    emb = wrow_ref.shape[1] - img_ref.shape[1]
    w_img = wrow_ref[:, emb:]
    scores = lax.dot_general(
        w_img, img_ref[...], (((1,), (1,)), ((), ())),
        preferred_element_type=jnp.float32)
    out_ref[...] = scores + b_ref[0, 0]


def _tc_combine(tail_start, scores_ref, part_ref, wrow_ref, slab_ref, idx_ref,
                out_ref):
    emb = part_ref.shape[1]
    w_emb = wrow_ref[:, :emb]
    s0 = jnp.sum(part_ref[...] * w_emb)
    ntail = slab_ref.shape[1]
    nidx = idx_ref.shape[1]
    idx_b = jnp.broadcast_to(idx_ref[...], (ntail, nidx))
    cols = lax.broadcasted_iota(jnp.int32, (ntail, nidx), 0) + tail_start
    hist = (idx_b == cols).astype(jnp.float32)
    t = lax.dot_general(w_emb, slab_ref[...], (((1,), (0,)), ((), ())),
                        preferred_element_type=jnp.float32)
    s_tail = jnp.sum(lax.dot_general(t, hist, (((1,), (0,)), ((), ())),
                                     preferred_element_type=jnp.float32))
    scores = scores_ref[...] + (s0 + s_tail)
    m = jnp.max(scores)
    e = jnp.exp(scores - m)
    out_ref[...] = e * (1.0 / jnp.sum(e))


def kernel(text_input, image_input, emb_table, W, b):
    out_dim, img_dim = image_input.shape
    vocab, emb = emb_table.shape

    idx = text_input.reshape(-1).astype(jnp.int32)
    n = idx.shape[0]
    rpw = -(-n // _NUM_WORKERS)
    rpw = -(-rpw // 8) * 8

    tail_start = (vocab // 128) * 128
    if tail_start == vocab:
        tail_start = vocab - 128

    table_t = emb_table.T
    partials = _sc_gather_sum(idx, table_t, n, rpw, tail_start)

    w_row = W.T
    b2 = b.reshape(1, 1)

    scores = pl.pallas_call(
        _tc_matvec,
        out_shape=jax.ShapeDtypeStruct((1, out_dim), jnp.float32),
    )(image_input, w_row, b2)

    slab_t = table_t[:, tail_start:]
    idx2 = idx.reshape(1, n)
    return pl.pallas_call(
        functools.partial(_tc_combine, tail_start),
        out_shape=jax.ShapeDtypeStruct((1, out_dim), jnp.float32),
    )(scores, partials, w_row, slab_t, idx2)

# --- scband reference (transcript-rebuilt; emitter-appended) ---
"""Pipeline reference for scband-naive-cbow-81200651698248 (READ-ONLY COPY).

The authoritative reference and input builder live on the scoring server;
editing this copy changes nothing except your own understanding.
"""

import jax, jax.numpy as jnp
import numpy as np

VOCAB = 1000000
EMB_DIM = 64
IMG_DIM = 2048
OUT_DIM = 1024

def setup_inputs(seed: int = 0) -> dict:
    key = jax.random.key(seed)
    k1, k2, k3, k4, k5 = jax.random.split(key, 5)
    text_input = jax.random.randint(k1, (1, 200), 0, VOCAB, dtype=jnp.int64 if jax.config.read('jax_enable_x64') else jnp.int32)
    image_input = jax.random.normal(k2, (OUT_DIM, IMG_DIM), dtype=jnp.float32)
    emb_table = jax.random.normal(k3, (VOCAB, EMB_DIM), dtype=jnp.float32) * 0.02
    W = jax.random.normal(k4, (EMB_DIM + IMG_DIM, 1), dtype=jnp.float32) * 0.02
    b = jnp.zeros((1,), dtype=jnp.float32)
    return {"text_input": text_input, "image_input": image_input, "emb_table": emb_table, "W": W, "b": b}

def reference(text_input, image_input, emb_table, W, b):
    # embeds = self.embeddings(text_input)  -> gather rows of table
    embeds = jnp.take(emb_table, text_input, axis=0)          # [1, L, D]
    # sum_embeds = torch.sum(embeds, 1)
    sum_embeds = jnp.sum(embeds, axis=1)                       # [1, D]
    # sum_embeds_block = sum_embeds.repeat(output_vector_size, 1)
    out_dim = image_input.shape[0]
    sum_embeds_block = jnp.tile(sum_embeds, (out_dim, 1))      # [OUT, D]
    # image_block = torch.stack(image_input).squeeze()  (list of [1, IMG] -> [OUT, IMG])
    image_block = image_input                                  # [OUT, IMG]
    # block = torch.cat((sum_embeds_block, image_block), 1)
    block = jnp.concatenate([sum_embeds_block, image_block], axis=1)  # [OUT, D+IMG]
    # score = self.linear(block)
    score = block @ W + b                                      # [OUT, 1]
    # output = softmax(score.view(1, -1))
    output = jax.nn.softmax(score.reshape(1, -1), axis=1)      # [1, OUT]
    return output

if __name__ == "__main__":
    import jax
    _d = setup_inputs()
    print(jax.jit(kernel)(*tuple(_d.values())))

</pallas_src>

<mosaic_0001>
#map = affine_map<(d0, d1) -> (0)>
#map1 = affine_map<(d0, d1) -> (0, 0)>
module attributes {stable_mosaic.version = 14 : i64} {
  func.func @gather_sum(%arg0: i32, %arg1: i32, %arg2: memref<200xi32, #tpu.memory_space<hbm>>, %arg3: memref<64x1000000xf32, #tpu.memory_space<hbm>>, %arg4: memref<32x64xf32, #tpu.memory_space<hbm>>, %arg5: memref<16xi32, #tpu.memory_space<vmem>>, %arg6: memref<8x64x128xf32, #tpu.memory_space<vmem>>, %arg7: memref<16xi32, #tpu.memory_space<vmem>>, %arg8: memref<16xi32, #tpu.memory_space<vmem>>, %arg9: memref<64xf32, #tpu.memory_space<vmem>>, %arg10: memref<!tpu.dma_semaphore, #tpu.memory_space<semaphore_mem>>) attributes {dimension_semantics = [#tpu.dimension_semantics<core_parallel>, #tpu.dimension_semantics<subcore_parallel>], iteration_bounds = array<i64: 2, 16>, scalar_prefetch = 0 : i64, scratch_operands = 6 : i64, tpu.core_type = #tpu.core_type<sc_vector_subcore>, window_params = [{transform_indices = #map}, {transform_indices = #map1}, {transform_indices = #map1}]} {
    %mul3A = arith.constant 2 : i32
    %mul3A_0 = arith.muli %arg1, %mul3A : i32
    %add3A = arith.addi %mul3A_0, %arg0 : i32
    %mul3A_1 = arith.constant 8 : i32
    %mul3A_2 = arith.muli %add3A, %mul3A_1 : i32
    %min3A = arith.constant 192 : i32
    %min3A_3 = arith.minsi %mul3A_2, %min3A : i32
    %multiple_of3A = tpu.assume_multiple %min3A_3, 8 : i32
    "tpu.region"() ({
      %run_scoped3A = tpu.sem_alloc : memref<!tpu.dma_semaphore, #tpu.memory_space<semaphore_mem>>
      %dma_start3A = arith.constant 0 : i32
      %dma_start3A_379 = tpu.memref_slice %arg5[%dma_start3A] : memref<16xi32, #tpu.memory_space<vmem>> -> memref<8xi32, #tpu.memory_space<vmem>>
      %dma_start3A_380 = tpu.memref_slice %arg2[%multiple_of3A] : memref<200xi32, #tpu.memory_space<hbm>> -> memref<8xi32, #tpu.memory_space<hbm>>
      %dma_start3A_381 = arith.constant 0 : i32
      %dma_start3A_382 = tpu.memref_slice %arg5[%dma_start3A_381] : memref<16xi32, #tpu.memory_space<vmem>> -> memref<8xi32, #tpu.memory_space<vmem>>
      %dma_start3A_383 = tpu.memref_slice %arg2[%multiple_of3A] : memref<200xi32, #tpu.memory_space<hbm>> -> memref<8xi32, #tpu.memory_space<hbm>>
      tpu.enqueue_dma source(%dma_start3A_383 : memref<8xi32, #tpu.memory_space<hbm>>) target(%dma_start3A_382 : memref<8xi32, #tpu.memory_space<vmem>>) target_semaphore(%run_scoped3A : memref<!tpu.dma_semaphore, #tpu.memory_space<semaphore_mem>>)
      %dma_wait3A = arith.constant 0 : i32
      %dma_wait3A_384 = tpu.memref_slice %arg5[%dma_wait3A] : memref<16xi32, #tpu.memory_space<vmem>> -> memref<8xi32, #tpu.memory_space<vmem>>
      %dma_wait3A_385 = tpu.memref_slice %arg2[%multiple_of3A] : memref<200xi32, #tpu.memory_space<hbm>> -> memref<8xi32, #tpu.memory_space<hbm>>
      %dma_wait3A_386 = arith.constant 0 : i32
      %dma_wait3A_387 = tpu.memref_slice %arg5[%dma_wait3A_386] : memref<16xi32, #tpu.memory_space<vmem>> -> memref<8xi32, #tpu.memory_space<vmem>>
      %dma_wait3A_388 = tpu.memref_slice %arg2[%multiple_of3A] : memref<200xi32, #tpu.memory_space<hbm>> -> memref<8xi32, #tpu.memory_space<hbm>>
      tpu.wait_dma2 semaphore(%run_scoped3A : memref<!tpu.dma_semaphore, #tpu.memory_space<semaphore_mem>>) src(%dma_wait3A_388 : memref<8xi32, #tpu.memory_space<hbm>>) dst(%dma_wait3A_387 : memref<8xi32, #tpu.memory_space<vmem>>)
      tpu.yield
    }) : () -> ()
    %get3A = arith.constant 0 : index
    %get3A_4 = tpu.vector_load %arg5[%get3A] {strides = array<i32>} : memref<16xi32, #tpu.memory_space<vmem>>, vector<16xi32>,
    %jit3A = arith.constant 0 : i32
    %jit3A_5 = arith.constant 999999 : i32
    %max3A = vector.broadcast %jit3A : i32 to vector<16xi32>
    %max3A_6 = arith.maxsi %max3A, %get3A_4 : vector<16xi32>
    %min3A_7 = vector.broadcast %jit3A_5 : i32 to vector<16xi32>
    %min3A_8 = arith.minsi %min3A_7, %max3A_6 : vector<16xi32>
    %iota3A = tpu.iota {dimensions = array<i32: 0>} : vector<16xi32>
    %broadcast_in_dim3A = arith.constant 0 : i32
    %broadcast_in_dim3A_9 = vector.broadcast %broadcast_in_dim3A : i32 to vector<16xi32>
    %broadcast_in_dim3A_10 = arith.constant 0 : i32
    %broadcast_in_dim3A_11 = vector.broadcast %broadcast_in_dim3A_10 : i32 to vector<16xi32>
    %eq3A = arith.constant 0 : i32
    %eq3A_12 = vector.broadcast %eq3A : i32 to vector<16xi32>
    %eq3A_13 = arith.cmpi eq, %iota3A, %eq3A_12 : vector<16xi32>
    %jit3A_14 = arith.constant 0 : i32
    %broadcast_in_dim3A_15 = vector.broadcast %jit3A_14 : i32 to vector<16xi32>
    %select_n3A = arith.select %eq3A_13, %min3A_8, %broadcast_in_dim3A_15 : vector<16xi1>, vector<16xi32>
    %reduce_sum3A = arith.constant true
    %reduce_sum3A_16 = vector.broadcast %reduce_sum3A : i1 to vector<16xi1>
    %reduce_sum3A_17 = tpu.scan <sum>, %select_n3A masked %reduce_sum3A_16 : vector<16xi32>, vector<16xi1> -> vector<16xi32>
    %reduce_sum3A_18 = vector.extract %reduce_sum3A_17[15] : i32 from vector<16xi32>
    %add3A_19 = arith.constant 0 : i32
    %add3A_20 = arith.addi %mul3A_2, %add3A_19 : i32
    %lt3A = arith.constant 200 : i32
    %lt3A_21 = arith.cmpi slt, %add3A_20, %lt3A : i32
    %lt3A_22 = arith.constant 999936 : i32
    %lt3A_23 = arith.cmpi slt, %reduce_sum3A_18, %lt3A_22 : i32
    %and3A = arith.andi %lt3A_21, %lt3A_23 : i1
    %shift_right_arithmetic3A = arith.constant 7 : i32
    %shift_right_arithmetic3A_24 = arith.shrsi %reduce_sum3A_18, %shift_right_arithmetic3A : i32
    %shift_left3A = arith.constant 7 : i32
    %shift_left3A_25 = arith.shli %shift_right_arithmetic3A_24, %shift_left3A : i32
    %jit3A_26 = arith.constant 0 : i32
    %select_n3A_27 = arith.select %and3A, %shift_left3A_25, %jit3A_26 : i32
    %eq3A_28 = arith.constant 0 : i32
    %eq3A_29 = vector.broadcast %eq3A_28 : i32 to vector<16xi32>
    %eq3A_30 = arith.cmpi eq, %iota3A, %eq3A_29 : vector<16xi32>
    %and3A_31 = arith.constant 127 : i32
    %and3A_32 = arith.andi %reduce_sum3A_18, %and3A_31 : i32
    %broadcast_in_dim3A_33 = vector.broadcast %and3A_32 : i32 to vector<16xi32>
    %select_n3A_34 = arith.select %eq3A_30, %broadcast_in_dim3A_33, %broadcast_in_dim3A_9 : vector<16xi1>, vector<16xi32>
    %and3A_35 = vector.broadcast %and3A : i1 to vector<16xi1>
    %and3A_36 = arith.andi %eq3A_30, %and3A_35 : vector<16xi1>
    %jit3A_37 = arith.constant 1 : i32
    %broadcast_in_dim3A_38 = vector.broadcast %jit3A_37 : i32 to vector<16xi32>
    %select_n3A_39 = arith.select %and3A_36, %broadcast_in_dim3A_38, %broadcast_in_dim3A_11 : vector<16xi1>, vector<16xi32>
    %multiple_of3A_40 = tpu.assume_multiple %select_n3A_27, 128 : i32
    %convert_element_type3A = arith.extui %and3A : i1 to i32
    %cond3A = arith.constant 0 : i32
    %cond3A_41 = arith.constant 0 : i32
    %cond3A_42 = arith.cmpi ne, %convert_element_type3A, %cond3A_41 : i32
    scf.if %cond3A_42 {
      %dma_start3A = arith.constant 0 : i32
      %dma_start3A_379 = arith.constant 0 : i32
      %dma_start3A_380 = tpu.memref_slice %arg6[%cond3A, %dma_start3A, %dma_start3A_379] : memref<8x64x128xf32, #tpu.memory_space<vmem>> -> memref<1x64x128xf32, #tpu.memory_space<vmem>>
      %dma_start3A_381 = tpu.memref_squeeze %dma_start3A_380 : memref<1x64x128xf32, #tpu.memory_space<vmem>> -> memref<64x128xf32, #tpu.memory_space<vmem>>
      %dma_start3A_382 = arith.constant 0 : i32
      %dma_start3A_383 = tpu.memref_slice %arg3[%dma_start3A_382, %multiple_of3A_40] : memref<64x1000000xf32, #tpu.memory_space<hbm>> -> memref<64x128xf32, #tpu.memory_space<hbm>>
      %dma_start3A_384 = arith.constant 0 : i32
      %dma_start3A_385 = arith.constant 0 : i32
      %dma_start3A_386 = tpu.memref_slice %arg6[%cond3A, %dma_start3A_384, %dma_start3A_385] : memref<8x64x128xf32, #tpu.memory_space<vmem>> -> memref<1x64x128xf32, #tpu.memory_space<vmem>>
      %dma_start3A_387 = tpu.memref_squeeze %dma_start3A_386 : memref<1x64x128xf32, #tpu.memory_space<vmem>> -> memref<64x128xf32, #tpu.memory_space<vmem>>
      %dma_start3A_388 = arith.constant 0 : i32
      %dma_start3A_389 = tpu.memref_slice %arg3[%dma_start3A_388, %multiple_of3A_40] : memref<64x1000000xf32, #tpu.memory_space<hbm>> -> memref<64x128xf32, #tpu.memory_space<hbm>>
      tpu.enqueue_dma source(%dma_start3A_389 : memref<64x128xf32, #tpu.memory_space<hbm>>) target(%dma_start3A_387 : memref<64x128xf32, #tpu.memory_space<vmem>>) target_semaphore(%arg10 : memref<!tpu.dma_semaphore, #tpu.memory_space<semaphore_mem>>)
    } else {
    }
    %eq3A_43 = arith.constant 1 : i32
    %eq3A_44 = vector.broadcast %eq3A_43 : i32 to vector<16xi32>
    %eq3A_45 = arith.cmpi eq, %iota3A, %eq3A_44 : vector<16xi32>
    %jit3A_46 = arith.constant 0 : i32
    %broadcast_in_dim3A_47 = vector.broadcast %jit3A_46 : i32 to vector<16xi32>
    %select_n3A_48 = arith.select %eq3A_45, %min3A_8, %broadcast_in_dim3A_47 : vector<16xi1>, vector<16xi32>
    %reduce_sum3A_49 = arith.constant true
    %reduce_sum3A_50 = vector.broadcast %reduce_sum3A_49 : i1 to vector<16xi1>
    %reduce_sum3A_51 = tpu.scan <sum>, %select_n3A_48 masked %reduce_sum3A_50 : vector<16xi32>, vector<16xi1> -> vector<16xi32>
    %reduce_sum3A_52 = vector.extract %reduce_sum3A_51[15] : i32 from vector<16xi32>
    %add3A_53 = arith.constant 1 : i32
    %add3A_54 = arith.addi %mul3A_2, %add3A_53 : i32
    %lt3A_55 = arith.constant 200 : i32
    %lt3A_56 = arith.cmpi slt, %add3A_54, %lt3A_55 : i32
    %lt3A_57 = arith.constant 999936 : i32
    %lt3A_58 = arith.cmpi slt, %reduce_sum3A_52, %lt3A_57 : i32
    %and3A_59 = arith.andi %lt3A_56, %lt3A_58 : i1
    %shift_right_arithmetic3A_60 = arith.constant 7 : i32
    %shift_right_arithmetic3A_61 = arith.shrsi %reduce_sum3A_52, %shift_right_arithmetic3A_60 : i32
    %shift_left3A_62 = arith.constant 7 : i32
    %shift_left3A_63 = arith.shli %shift_right_arithmetic3A_61, %shift_left3A_62 : i32
    %jit3A_64 = arith.constant 0 : i32
    %select_n3A_65 = arith.select %and3A_59, %shift_left3A_63, %jit3A_64 : i32
    %eq3A_66 = arith.constant 1 : i32
    %eq3A_67 = vector.broadcast %eq3A_66 : i32 to vector<16xi32>
    %eq3A_68 = arith.cmpi eq, %iota3A, %eq3A_67 : vector<16xi32>
    %and3A_69 = arith.constant 127 : i32
    %and3A_70 = arith.andi %reduce_sum3A_52, %and3A_69 : i32
    %broadcast_in_dim3A_71 = vector.broadcast %and3A_70 : i32 to vector<16xi32>
    %select_n3A_72 = arith.select %eq3A_68, %broadcast_in_dim3A_71, %select_n3A_34 : vector<16xi1>, vector<16xi32>
    %and3A_73 = vector.broadcast %and3A_59 : i1 to vector<16xi1>
    %and3A_74 = arith.andi %eq3A_68, %and3A_73 : vector<16xi1>
    %jit3A_75 = arith.constant 1 : i32
    %broadcast_in_dim3A_76 = vector.broadcast %jit3A_75 : i32 to vector<16xi32>
    %select_n3A_77 = arith.select %and3A_74, %broadcast_in_dim3A_76, %select_n3A_39 : vector<16xi1>, vector<16xi32>
    %multiple_of3A_78 = tpu.assume_multiple %select_n3A_65, 128 : i32
    %convert_element_type3A_79 = arith.extui %and3A_59 : i1 to i32
    %cond3A_80 = arith.constant 1 : i32
    %cond3A_81 = arith.constant 0 : i32
    %cond3A_82 = arith.cmpi ne, %convert_element_type3A_79, %cond3A_81 : i32
    scf.if %cond3A_82 {
      %dma_start3A = arith.constant 0 : i32
      %dma_start3A_379 = arith.constant 0 : i32
      %dma_start3A_380 = tpu.memref_slice %arg6[%cond3A_80, %dma_start3A, %dma_start3A_379] : memref<8x64x128xf32, #tpu.memory_space<vmem>> -> memref<1x64x128xf32, #tpu.memory_space<vmem>>
      %dma_start3A_381 = tpu.memref_squeeze %dma_start3A_380 : memref<1x64x128xf32, #tpu.memory_space<vmem>> -> memref<64x128xf32, #tpu.memory_space<vmem>>
      %dma_start3A_382 = arith.constant 0 : i32
      %dma_start3A_383 = tpu.memref_slice %arg3[%dma_start3A_382, %multiple_of3A_78] : memref<64x1000000xf32, #tpu.memory_space<hbm>> -> memref<64x128xf32, #tpu.memory_space<hbm>>
      %dma_start3A_384 = arith.constant 0 : i32
      %dma_start3A_385 = arith.constant 0 : i32
      %dma_start3A_386 = tpu.memref_slice %arg6[%cond3A_80, %dma_start3A_384, %dma_start3A_385] : memref<8x64x128xf32, #tpu.memory_space<vmem>> -> memref<1x64x128xf32, #tpu.memory_space<vmem>>
      %dma_start3A_387 = tpu.memref_squeeze %dma_start3A_386 : memref<1x64x128xf32, #tpu.memory_space<vmem>> -> memref<64x128xf32, #tpu.memory_space<vmem>>
      %dma_start3A_388 = arith.constant 0 : i32
      %dma_start3A_389 = tpu.memref_slice %arg3[%dma_start3A_388, %multiple_of3A_78] : memref<64x1000000xf32, #tpu.memory_space<hbm>> -> memref<64x128xf32, #tpu.memory_space<hbm>>
      tpu.enqueue_dma source(%dma_start3A_389 : memref<64x128xf32, #tpu.memory_space<hbm>>) target(%dma_start3A_387 : memref<64x128xf32, #tpu.memory_space<vmem>>) target_semaphore(%arg10 : memref<!tpu.dma_semaphore, #tpu.memory_space<semaphore_mem>>)
    } else {
    }
    %eq3A_83 = arith.constant 2 : i32
    %eq3A_84 = vector.broadcast %eq3A_83 : i32 to vector<16xi32>
    %eq3A_85 = arith.cmpi eq, %iota3A, %eq3A_84 : vector<16xi32>
    %jit3A_86 = arith.constant 0 : i32
    %broadcast_in_dim3A_87 = vector.broadcast %jit3A_86 : i32 to vector<16xi32>
    %select_n3A_88 = arith.select %eq3A_85, %min3A_8, %broadcast_in_dim3A_87 : vector<16xi1>, vector<16xi32>
    %reduce_sum3A_89 = arith.constant true
    %reduce_sum3A_90 = vector.broadcast %reduce_sum3A_89 : i1 to vector<16xi1>
    %reduce_sum3A_91 = tpu.scan <sum>, %select_n3A_88 masked %reduce_sum3A_90 : vector<16xi32>, vector<16xi1> -> vector<16xi32>
    %reduce_sum3A_92 = vector.extract %reduce_sum3A_91[15] : i32 from vector<16xi32>
    %add3A_93 = arith.constant 2 : i32
    %add3A_94 = arith.addi %mul3A_2, %add3A_93 : i32
    %lt3A_95 = arith.constant 200 : i32
    %lt3A_96 = arith.cmpi slt, %add3A_94, %lt3A_95 : i32
    %lt3A_97 = arith.constant 999936 : i32
    %lt3A_98 = arith.cmpi slt, %reduce_sum3A_92, %lt3A_97 : i32
    %and3A_99 = arith.andi %lt3A_96, %lt3A_98 : i1
    %shift_right_arithmetic3A_100 = arith.constant 7 : i32
    %shift_right_arithmetic3A_101 = arith.shrsi %reduce_sum3A_92, %shift_right_arithmetic3A_100 : i32
    %shift_left3A_102 = arith.constant 7 : i32
    %shift_left3A_103 = arith.shli %shift_right_arithmetic3A_101, %shift_left3A_102 : i32
    %jit3A_104 = arith.constant 0 : i32
    %select_n3A_105 = arith.select %and3A_99, %shift_left3A_103, %jit3A_104 : i32
    %eq3A_106 = arith.constant 2 : i32
    %eq3A_107 = vector.broadcast %eq3A_106 : i32 to vector<16xi32>
    %eq3A_108 = arith.cmpi eq, %iota3A, %eq3A_107 : vector<16xi32>
    %and3A_109 = arith.constant 127 : i32
    %and3A_110 = arith.andi %reduce_sum3A_92, %and3A_109 : i32
    %broadcast_in_dim3A_111 = vector.broadcast %and3A_110 : i32 to vector<16xi32>
    %select_n3A_112 = arith.select %eq3A_108, %broadcast_in_dim3A_111, %select_n3A_72 : vector<16xi1>, vector<16xi32>
    %and3A_113 = vector.broadcast %and3A_99 : i1 to vector<16xi1>
    %and3A_114 = arith.andi %eq3A_108, %and3A_113 : vector<16xi1>
    %jit3A_115 = arith.constant 1 : i32
    %broadcast_in_dim3A_116 = vector.broadcast %jit3A_115 : i32 to vector<16xi32>
    %select_n3A_117 = arith.select %and3A_114, %broadcast_in_dim3A_116, %select_n3A_77 : vector<16xi1>, vector<16xi32>
    %multiple_of3A_118 = tpu.assume_multiple %select_n3A_105, 128 : i32
    %convert_element_type3A_119 = arith.extui %and3A_99 : i1 to i32
    %cond3A_120 = arith.constant 2 : i32
    %cond3A_121 = arith.constant 0 : i32
    %cond3A_122 = arith.cmpi ne, %convert_element_type3A_119, %cond3A_121 : i32
    scf.if %cond3A_122 {
      %dma_start3A = arith.constant 0 : i32
      %dma_start3A_379 = arith.constant 0 : i32
      %dma_start3A_380 = tpu.memref_slice %arg6[%cond3A_120, %dma_start3A, %dma_start3A_379] : memref<8x64x128xf32, #tpu.memory_space<vmem>> -> memref<1x64x128xf32, #tpu.memory_space<vmem>>
      %dma_start3A_381 = tpu.memref_squeeze %dma_start3A_380 : memref<1x64x128xf32, #tpu.memory_space<vmem>> -> memref<64x128xf32, #tpu.memory_space<vmem>>
      %dma_start3A_382 = arith.constant 0 : i32
      %dma_start3A_383 = tpu.memref_slice %arg3[%dma_start3A_382, %multiple_of3A_118] : memref<64x1000000xf32, #tpu.memory_space<hbm>> -> memref<64x128xf32, #tpu.memory_space<hbm>>
      %dma_start3A_384 = arith.constant 0 : i32
      %dma_start3A_385 = arith.constant 0 : i32
      %dma_start3A_386 = tpu.memref_slice %arg6[%cond3A_120, %dma_start3A_384, %dma_start3A_385] : memref<8x64x128xf32, #tpu.memory_space<vmem>> -> memref<1x64x128xf32, #tpu.memory_space<vmem>>
      %dma_start3A_387 = tpu.memref_squeeze %dma_start3A_386 : memref<1x64x128xf32, #tpu.memory_space<vmem>> -> memref<64x128xf32, #tpu.memory_space<vmem>>
      %dma_start3A_388 = arith.constant 0 : i32
      %dma_start3A_389 = tpu.memref_slice %arg3[%dma_start3A_388, %multiple_of3A_118] : memref<64x1000000xf32, #tpu.memory_space<hbm>> -> memref<64x128xf32, #tpu.memory_space<hbm>>
      tpu.enqueue_dma source(%dma_start3A_389 : memref<64x128xf32, #tpu.memory_space<hbm>>) target(%dma_start3A_387 : memref<64x128xf32, #tpu.memory_space<vmem>>) target_semaphore(%arg10 : memref<!tpu.dma_semaphore, #tpu.memory_space<semaphore_mem>>)
    } else {
    }
    %eq3A_123 = arith.constant 3 : i32
    %eq3A_124 = vector.broadcast %eq3A_123 : i32 to vector<16xi32>
    %eq3A_125 = arith.cmpi eq, %iota3A, %eq3A_124 : vector<16xi32>
    %jit3A_126 = arith.constant 0 : i32
    %broadcast_in_dim3A_127 = vector.broadcast %jit3A_126 : i32 to vector<16xi32>
    %select_n3A_128 = arith.select %eq3A_125, %min3A_8, %broadcast_in_dim3A_127 : vector<16xi1>, vector<16xi32>
    %reduce_sum3A_129 = arith.constant true
    %reduce_sum3A_130 = vector.broadcast %reduce_sum3A_129 : i1 to vector<16xi1>
    %reduce_sum3A_131 = tpu.scan <sum>, %select_n3A_128 masked %reduce_sum3A_130 : vector<16xi32>, vector<16xi1> -> vector<16xi32>
    %reduce_sum3A_132 = vector.extract %reduce_sum3A_131[15] : i32 from vector<16xi32>
    %add3A_133 = arith.constant 3 : i32
    %add3A_134 = arith.addi %mul3A_2, %add3A_133 : i32
    %lt3A_135 = arith.constant 200 : i32
    %lt3A_136 = arith.cmpi slt, %add3A_134, %lt3A_135 : i32
    %lt3A_137 = arith.constant 999936 : i32
    %lt3A_138 = arith.cmpi slt, %reduce_sum3A_132, %lt3A_137 : i32
    %and3A_139 = arith.andi %lt3A_136, %lt3A_138 : i1
    %shift_right_arithmetic3A_140 = arith.constant 7 : i32
    %shift_right_arithmetic3A_141 = arith.shrsi %reduce_sum3A_132, %shift_right_arithmetic3A_140 : i32
    %shift_left3A_142 = arith.constant 7 : i32
    %shift_left3A_143 = arith.shli %shift_right_arithmetic3A_141, %shift_left3A_142 : i32
    %jit3A_144 = arith.constant 0 : i32
    %select_n3A_145 = arith.select %and3A_139, %shift_left3A_143, %jit3A_144 : i32
    %eq3A_146 = arith.constant 3 : i32
    %eq3A_147 = vector.broadcast %eq3A_146 : i32 to vector<16xi32>
    %eq3A_148 = arith.cmpi eq, %iota3A, %eq3A_147 : vector<16xi32>
    %and3A_149 = arith.constant 127 : i32
    %and3A_150 = arith.andi %reduce_sum3A_132, %and3A_149 : i32
    %broadcast_in_dim3A_151 = vector.broadcast %and3A_150 : i32 to vector<16xi32>
    %select_n3A_152 = arith.select %eq3A_148, %broadcast_in_dim3A_151, %select_n3A_112 : vector<16xi1>, vector<16xi32>
    %and3A_153 = vector.broadcast %and3A_139 : i1 to vector<16xi1>
    %and3A_154 = arith.andi %eq3A_148, %and3A_153 : vector<16xi1>
    %jit3A_155 = arith.constant 1 : i32
    %broadcast_in_dim3A_156 = vector.broadcast %jit3A_155 : i32 to vector<16xi32>
    %select_n3A_157 = arith.select %and3A_154, %broadcast_in_dim3A_156, %select_n3A_117 : vector<16xi1>, vector<16xi32>
    %multiple_of3A_158 = tpu.assume_multiple %select_n3A_145, 128 : i32
    %convert_element_type3A_159 = arith.extui %and3A_139 : i1 to i32
    %cond3A_160 = arith.constant 3 : i32
    %cond3A_161 = arith.constant 0 : i32
    %cond3A_162 = arith.cmpi ne, %convert_element_type3A_159, %cond3A_161 : i32
    scf.if %cond3A_162 {
      %dma_start3A = arith.constant 0 : i32
      %dma_start3A_379 = arith.constant 0 : i32
      %dma_start3A_380 = tpu.memref_slice %arg6[%cond3A_160, %dma_start3A, %dma_start3A_379] : memref<8x64x128xf32, #tpu.memory_space<vmem>> -> memref<1x64x128xf32, #tpu.memory_space<vmem>>
      %dma_start3A_381 = tpu.memref_squeeze %dma_start3A_380 : memref<1x64x128xf32, #tpu.memory_space<vmem>> -> memref<64x128xf32, #tpu.memory_space<vmem>>
      %dma_start3A_382 = arith.constant 0 : i32
      %dma_start3A_383 = tpu.memref_slice %arg3[%dma_start3A_382, %multiple_of3A_158] : memref<64x1000000xf32, #tpu.memory_space<hbm>> -> memref<64x128xf32, #tpu.memory_space<hbm>>
      %dma_start3A_384 = arith.constant 0 : i32
      %dma_start3A_385 = arith.constant 0 : i32
      %dma_start3A_386 = tpu.memref_slice %arg6[%cond3A_160, %dma_start3A_384, %dma_start3A_385] : memref<8x64x128xf32, #tpu.memory_space<vmem>> -> memref<1x64x128xf32, #tpu.memory_space<vmem>>
      %dma_start3A_387 = tpu.memref_squeeze %dma_start3A_386 : memref<1x64x128xf32, #tpu.memory_space<vmem>> -> memref<64x128xf32, #tpu.memory_space<vmem>>
      %dma_start3A_388 = arith.constant 0 : i32
      %dma_start3A_389 = tpu.memref_slice %arg3[%dma_start3A_388, %multiple_of3A_158] : memref<64x1000000xf32, #tpu.memory_space<hbm>> -> memref<64x128xf32, #tpu.memory_space<hbm>>
      tpu.enqueue_dma source(%dma_start3A_389 : memref<64x128xf32, #tpu.memory_space<hbm>>) target(%dma_start3A_387 : memref<64x128xf32, #tpu.memory_space<vmem>>) target_semaphore(%arg10 : memref<!tpu.dma_semaphore, #tpu.memory_space<semaphore_mem>>)
    } else {
    }
    %eq3A_163 = arith.constant 4 : i32
    %eq3A_164 = vector.broadcast %eq3A_163 : i32 to vector<16xi32>
    %eq3A_165 = arith.cmpi eq, %iota3A, %eq3A_164 : vector<16xi32>
    %jit3A_166 = arith.constant 0 : i32
    %broadcast_in_dim3A_167 = vector.broadcast %jit3A_166 : i32 to vector<16xi32>
    %select_n3A_168 = arith.select %eq3A_165, %min3A_8, %broadcast_in_dim3A_167 : vector<16xi1>, vector<16xi32>
    %reduce_sum3A_169 = arith.constant true
    %reduce_sum3A_170 = vector.broadcast %reduce_sum3A_169 : i1 to vector<16xi1>
    %reduce_sum3A_171 = tpu.scan <sum>, %select_n3A_168 masked %reduce_sum3A_170 : vector<16xi32>, vector<16xi1> -> vector<16xi32>
    %reduce_sum3A_172 = vector.extract %reduce_sum3A_171[15] : i32 from vector<16xi32>
    %add3A_173 = arith.constant 4 : i32
    %add3A_174 = arith.addi %mul3A_2, %add3A_173 : i32
    %lt3A_175 = arith.constant 200 : i32
    %lt3A_176 = arith.cmpi slt, %add3A_174, %lt3A_175 : i32
    %lt3A_177 = arith.constant 999936 : i32
    %lt3A_178 = arith.cmpi slt, %reduce_sum3A_172, %lt3A_177 : i32
    %and3A_179 = arith.andi %lt3A_176, %lt3A_178 : i1
    %shift_right_arithmetic3A_180 = arith.constant 7 : i32
    %shift_right_arithmetic3A_181 = arith.shrsi %reduce_sum3A_172, %shift_right_arithmetic3A_180 : i32
    %shift_left3A_182 = arith.constant 7 : i32
    %shift_left3A_183 = arith.shli %shift_right_arithmetic3A_181, %shift_left3A_182 : i32
    %jit3A_184 = arith.constant 0 : i32
    %select_n3A_185 = arith.select %and3A_179, %shift_left3A_183, %jit3A_184 : i32
    %eq3A_186 = arith.constant 4 : i32
    %eq3A_187 = vector.broadcast %eq3A_186 : i32 to vector<16xi32>
    %eq3A_188 = arith.cmpi eq, %iota3A, %eq3A_187 : vector<16xi32>
    %and3A_189 = arith.constant 127 : i32
    %and3A_190 = arith.andi %reduce_sum3A_172, %and3A_189 : i32
    %broadcast_in_dim3A_191 = vector.broadcast %and3A_190 : i32 to vector<16xi32>
    %select_n3A_192 = arith.select %eq3A_188, %broadcast_in_dim3A_191, %select_n3A_152 : vector<16xi1>, vector<16xi32>
    %and3A_193 = vector.broadcast %and3A_179 : i1 to vector<16xi1>
    %and3A_194 = arith.andi %eq3A_188, %and3A_193 : vector<16xi1>
    %jit3A_195 = arith.constant 1 : i32
    %broadcast_in_dim3A_196 = vector.broadcast %jit3A_195 : i32 to vector<16xi32>
    %select_n3A_197 = arith.select %and3A_194, %broadcast_in_dim3A_196, %select_n3A_157 : vector<16xi1>, vector<16xi32>
    %multiple_of3A_198 = tpu.assume_multiple %select_n3A_185, 128 : i32
    %convert_element_type3A_199 = arith.extui %and3A_179 : i1 to i32
    %cond3A_200 = arith.constant 4 : i32
    %cond3A_201 = arith.constant 0 : i32
    %cond3A_202 = arith.cmpi ne, %convert_element_type3A_199, %cond3A_201 : i32
    scf.if %cond3A_202 {
      %dma_start3A = arith.constant 0 : i32
      %dma_start3A_379 = arith.constant 0 : i32
      %dma_start3A_380 = tpu.memref_slice %arg6[%cond3A_200, %dma_start3A, %dma_start3A_379] : memref<8x64x128xf32, #tpu.memory_space<vmem>> -> memref<1x64x128xf32, #tpu.memory_space<vmem>>
      %dma_start3A_381 = tpu.memref_squeeze %dma_start3A_380 : memref<1x64x128xf32, #tpu.memory_space<vmem>> -> memref<64x128xf32, #tpu.memory_space<vmem>>
      %dma_start3A_382 = arith.constant 0 : i32
      %dma_start3A_383 = tpu.memref_slice %arg3[%dma_start3A_382, %multiple_of3A_198] : memref<64x1000000xf32, #tpu.memory_space<hbm>> -> memref<64x128xf32, #tpu.memory_space<hbm>>
      %dma_start3A_384 = arith.constant 0 : i32
      %dma_start3A_385 = arith.constant 0 : i32
      %dma_start3A_386 = tpu.memref_slice %arg6[%cond3A_200, %dma_start3A_384, %dma_start3A_385] : memref<8x64x128xf32, #tpu.memory_space<vmem>> -> memref<1x64x128xf32, #tpu.memory_space<vmem>>
      %dma_start3A_387 = tpu.memref_squeeze %dma_start3A_386 : memref<1x64x128xf32, #tpu.memory_space<vmem>> -> memref<64x128xf32, #tpu.memory_space<vmem>>
      %dma_start3A_388 = arith.constant 0 : i32
      %dma_start3A_389 = tpu.memref_slice %arg3[%dma_start3A_388, %multiple_of3A_198] : memref<64x1000000xf32, #tpu.memory_space<hbm>> -> memref<64x128xf32, #tpu.memory_space<hbm>>
      tpu.enqueue_dma source(%dma_start3A_389 : memref<64x128xf32, #tpu.memory_space<hbm>>) target(%dma_start3A_387 : memref<64x128xf32, #tpu.memory_space<vmem>>) target_semaphore(%arg10 : memref<!tpu.dma_semaphore, #tpu.memory_space<semaphore_mem>>)
    } else {
    }
    %eq3A_203 = arith.constant 5 : i32
    %eq3A_204 = vector.broadcast %eq3A_203 : i32 to vector<16xi32>
    %eq3A_205 = arith.cmpi eq, %iota3A, %eq3A_204 : vector<16xi32>
    %jit3A_206 = arith.constant 0 : i32
    %broadcast_in_dim3A_207 = vector.broadcast %jit3A_206 : i32 to vector<16xi32>
    %select_n3A_208 = arith.select %eq3A_205, %min3A_8, %broadcast_in_dim3A_207 : vector<16xi1>, vector<16xi32>
    %reduce_sum3A_209 = arith.constant true
    %reduce_sum3A_210 = vector.broadcast %reduce_sum3A_209 : i1 to vector<16xi1>
    %reduce_sum3A_211 = tpu.scan <sum>, %select_n3A_208 masked %reduce_sum3A_210 : vector<16xi32>, vector<16xi1> -> vector<16xi32>
    %reduce_sum3A_212 = vector.extract %reduce_sum3A_211[15] : i32 from vector<16xi32>
    %add3A_213 = arith.constant 5 : i32
    %add3A_214 = arith.addi %mul3A_2, %add3A_213 : i32
    %lt3A_215 = arith.constant 200 : i32
    %lt3A_216 = arith.cmpi slt, %add3A_214, %lt3A_215 : i32
    %lt3A_217 = arith.constant 999936 : i32
    %lt3A_218 = arith.cmpi slt, %reduce_sum3A_212, %lt3A_217 : i32
    %and3A_219 = arith.andi %lt3A_216, %lt3A_218 : i1
    %shift_right_arithmetic3A_220 = arith.constant 7 : i32
    %shift_right_arithmetic3A_221 = arith.shrsi %reduce_sum3A_212, %shift_right_arithmetic3A_220 : i32
    %shift_left3A_222 = arith.constant 7 : i32
    %shift_left3A_223 = arith.shli %shift_right_arithmetic3A_221, %shift_left3A_222 : i32
    %jit3A_224 = arith.constant 0 : i32
    %select_n3A_225 = arith.select %and3A_219, %shift_left3A_223, %jit3A_224 : i32
    %eq3A_226 = arith.constant 5 : i32
    %eq3A_227 = vector.broadcast %eq3A_226 : i32 to vector<16xi32>
    %eq3A_228 = arith.cmpi eq, %iota3A, %eq3A_227 : vector<16xi32>
    %and3A_229 = arith.constant 127 : i32
    %and3A_230 = arith.andi %reduce_sum3A_212, %and3A_229 : i32
    %broadcast_in_dim3A_231 = vector.broadcast %and3A_230 : i32 to vector<16xi32>
    %select_n3A_232 = arith.select %eq3A_228, %broadcast_in_dim3A_231, %select_n3A_192 : vector<16xi1>, vector<16xi32>
    %and3A_233 = vector.broadcast %and3A_219 : i1 to vector<16xi1>
    %and3A_234 = arith.andi %eq3A_228, %and3A_233 : vector<16xi1>
    %jit3A_235 = arith.constant 1 : i32
    %broadcast_in_dim3A_236 = vector.broadcast %jit3A_235 : i32 to vector<16xi32>
    %select_n3A_237 = arith.select %and3A_234, %broadcast_in_dim3A_236, %select_n3A_197 : vector<16xi1>, vector<16xi32>
    %multiple_of3A_238 = tpu.assume_multiple %select_n3A_225, 128 : i32
    %convert_element_type3A_239 = arith.extui %and3A_219 : i1 to i32
    %cond3A_240 = arith.constant 5 : i32
    %cond3A_241 = arith.constant 0 : i32
    %cond3A_242 = arith.cmpi ne, %convert_element_type3A_239, %cond3A_241 : i32
    scf.if %cond3A_242 {
      %dma_start3A = arith.constant 0 : i32
      %dma_start3A_379 = arith.constant 0 : i32
      %dma_start3A_380 = tpu.memref_slice %arg6[%cond3A_240, %dma_start3A, %dma_start3A_379] : memref<8x64x128xf32, #tpu.memory_space<vmem>> -> memref<1x64x128xf32, #tpu.memory_space<vmem>>
      %dma_start3A_381 = tpu.memref_squeeze %dma_start3A_380 : memref<1x64x128xf32, #tpu.memory_space<vmem>> -> memref<64x128xf32, #tpu.memory_space<vmem>>
      %dma_start3A_382 = arith.constant 0 : i32
      %dma_start3A_383 = tpu.memref_slice %arg3[%dma_start3A_382, %multiple_of3A_238] : memref<64x1000000xf32, #tpu.memory_space<hbm>> -> memref<64x128xf32, #tpu.memory_space<hbm>>
      %dma_start3A_384 = arith.constant 0 : i32
      %dma_start3A_385 = arith.constant 0 : i32
      %dma_start3A_386 = tpu.memref_slice %arg6[%cond3A_240, %dma_start3A_384, %dma_start3A_385] : memref<8x64x128xf32, #tpu.memory_space<vmem>> -> memref<1x64x128xf32, #tpu.memory_space<vmem>>
      %dma_start3A_387 = tpu.memref_squeeze %dma_start3A_386 : memref<1x64x128xf32, #tpu.memory_space<vmem>> -> memref<64x128xf32, #tpu.memory_space<vmem>>
      %dma_start3A_388 = arith.constant 0 : i32
      %dma_start3A_389 = tpu.memref_slice %arg3[%dma_start3A_388, %multiple_of3A_238] : memref<64x1000000xf32, #tpu.memory_space<hbm>> -> memref<64x128xf32, #tpu.memory_space<hbm>>
      tpu.enqueue_dma source(%dma_start3A_389 : memref<64x128xf32, #tpu.memory_space<hbm>>) target(%dma_start3A_387 : memref<64x128xf32, #tpu.memory_space<vmem>>) target_semaphore(%arg10 : memref<!tpu.dma_semaphore, #tpu.memory_space<semaphore_mem>>)
    } else {
    }
    %eq3A_243 = arith.constant 6 : i32
    %eq3A_244 = vector.broadcast %eq3A_243 : i32 to vector<16xi32>
    %eq3A_245 = arith.cmpi eq, %iota3A, %eq3A_244 : vector<16xi32>
    %jit3A_246 = arith.constant 0 : i32
    %broadcast_in_dim3A_247 = vector.broadcast %jit3A_246 : i32 to vector<16xi32>
    %select_n3A_248 = arith.select %eq3A_245, %min3A_8, %broadcast_in_dim3A_247 : vector<16xi1>, vector<16xi32>
    %reduce_sum3A_249 = arith.constant true
    %reduce_sum3A_250 = vector.broadcast %reduce_sum3A_249 : i1 to vector<16xi1>
    %reduce_sum3A_251 = tpu.scan <sum>, %select_n3A_248 masked %reduce_sum3A_250 : vector<16xi32>, vector<16xi1> -> vector<16xi32>
    %reduce_sum3A_252 = vector.extract %reduce_sum3A_251[15] : i32 from vector<16xi32>
    %add3A_253 = arith.constant 6 : i32
    %add3A_254 = arith.addi %mul3A_2, %add3A_253 : i32
    %lt3A_255 = arith.constant 200 : i32
    %lt3A_256 = arith.cmpi slt, %add3A_254, %lt3A_255 : i32
    %lt3A_257 = arith.constant 999936 : i32
    %lt3A_258 = arith.cmpi slt, %reduce_sum3A_252, %lt3A_257 : i32
    %and3A_259 = arith.andi %lt3A_256, %lt3A_258 : i1
    %shift_right_arithmetic3A_260 = arith.constant 7 : i32
    %shift_right_arithmetic3A_261 = arith.shrsi %reduce_sum3A_252, %shift_right_arithmetic3A_260 : i32
    %shift_left3A_262 = arith.constant 7 : i32
    %shift_left3A_263 = arith.shli %shift_right_arithmetic3A_261, %shift_left3A_262 : i32
    %jit3A_264 = arith.constant 0 : i32
    %select_n3A_265 = arith.select %and3A_259, %shift_left3A_263, %jit3A_264 : i32
    %eq3A_266 = arith.constant 6 : i32
    %eq3A_267 = vector.broadcast %eq3A_266 : i32 to vector<16xi32>
    %eq3A_268 = arith.cmpi eq, %iota3A, %eq3A_267 : vector<16xi32>
    %and3A_269 = arith.constant 127 : i32
    %and3A_270 = arith.andi %reduce_sum3A_252, %and3A_269 : i32
    %broadcast_in_dim3A_271 = vector.broadcast %and3A_270 : i32 to vector<16xi32>
    %select_n3A_272 = arith.select %eq3A_268, %broadcast_in_dim3A_271, %select_n3A_232 : vector<16xi1>, vector<16xi32>
    %and3A_273 = vector.broadcast %and3A_259 : i1 to vector<16xi1>
    %and3A_274 = arith.andi %eq3A_268, %and3A_273 : vector<16xi1>
    %jit3A_275 = arith.constant 1 : i32
    %broadcast_in_dim3A_276 = vector.broadcast %jit3A_275 : i32 to vector<16xi32>
    %select_n3A_277 = arith.select %and3A_274, %broadcast_in_dim3A_276, %select_n3A_237 : vector<16xi1>, vector<16xi32>
    %multiple_of3A_278 = tpu.assume_multiple %select_n3A_265, 128 : i32
    %convert_element_type3A_279 = arith.extui %and3A_259 : i1 to i32
    %cond3A_280 = arith.constant 6 : i32
    %cond3A_281 = arith.constant 0 : i32
    %cond3A_282 = arith.cmpi ne, %convert_element_type3A_279, %cond3A_281 : i32
    scf.if %cond3A_282 {
      %dma_start3A = arith.constant 0 : i32
      %dma_start3A_379 = arith.constant 0 : i32
      %dma_start3A_380 = tpu.memref_slice %arg6[%cond3A_280, %dma_start3A, %dma_start3A_379] : memref<8x64x128xf32, #tpu.memory_space<vmem>> -> memref<1x64x128xf32, #tpu.memory_space<vmem>>
      %dma_start3A_381 = tpu.memref_squeeze %dma_start3A_380 : memref<1x64x128xf32, #tpu.memory_space<vmem>> -> memref<64x128xf32, #tpu.memory_space<vmem>>
      %dma_start3A_382 = arith.constant 0 : i32
      %dma_start3A_383 = tpu.memref_slice %arg3[%dma_start3A_382, %multiple_of3A_278] : memref<64x1000000xf32, #tpu.memory_space<hbm>> -> memref<64x128xf32, #tpu.memory_space<hbm>>
      %dma_start3A_384 = arith.constant 0 : i32
      %dma_start3A_385 = arith.constant 0 : i32
      %dma_start3A_386 = tpu.memref_slice %arg6[%cond3A_280, %dma_start3A_384, %dma_start3A_385] : memref<8x64x128xf32, #tpu.memory_space<vmem>> -> memref<1x64x128xf32, #tpu.memory_space<vmem>>
      %dma_start3A_387 = tpu.memref_squeeze %dma_start3A_386 : memref<1x64x128xf32, #tpu.memory_space<vmem>> -> memref<64x128xf32, #tpu.memory_space<vmem>>
      %dma_start3A_388 = arith.constant 0 : i32
      %dma_start3A_389 = tpu.memref_slice %arg3[%dma_start3A_388, %multiple_of3A_278] : memref<64x1000000xf32, #tpu.memory_space<hbm>> -> memref<64x128xf32, #tpu.memory_space<hbm>>
      tpu.enqueue_dma source(%dma_start3A_389 : memref<64x128xf32, #tpu.memory_space<hbm>>) target(%dma_start3A_387 : memref<64x128xf32, #tpu.memory_space<vmem>>) target_semaphore(%arg10 : memref<!tpu.dma_semaphore, #tpu.memory_space<semaphore_mem>>)
    } else {
    }
    %eq3A_283 = arith.constant 7 : i32
    %eq3A_284 = vector.broadcast %eq3A_283 : i32 to vector<16xi32>
    %eq3A_285 = arith.cmpi eq, %iota3A, %eq3A_284 : vector<16xi32>
    %jit3A_286 = arith.constant 0 : i32
    %broadcast_in_dim3A_287 = vector.broadcast %jit3A_286 : i32 to vector<16xi32>
    %select_n3A_288 = arith.select %eq3A_285, %min3A_8, %broadcast_in_dim3A_287 : vector<16xi1>, vector<16xi32>
    %reduce_sum3A_289 = arith.constant true
    %reduce_sum3A_290 = vector.broadcast %reduce_sum3A_289 : i1 to vector<16xi1>
    %reduce_sum3A_291 = tpu.scan <sum>, %select_n3A_288 masked %reduce_sum3A_290 : vector<16xi32>, vector<16xi1> -> vector<16xi32>
    %reduce_sum3A_292 = vector.extract %reduce_sum3A_291[15] : i32 from vector<16xi32>
    %add3A_293 = arith.constant 7 : i32
    %add3A_294 = arith.addi %mul3A_2, %add3A_293 : i32
    %lt3A_295 = arith.constant 200 : i32
    %lt3A_296 = arith.cmpi slt, %add3A_294, %lt3A_295 : i32
    %lt3A_297 = arith.constant 999936 : i32
    %lt3A_298 = arith.cmpi slt, %reduce_sum3A_292, %lt3A_297 : i32
    %and3A_299 = arith.andi %lt3A_296, %lt3A_298 : i1
    %shift_right_arithmetic3A_300 = arith.constant 7 : i32
    %shift_right_arithmetic3A_301 = arith.shrsi %reduce_sum3A_292, %shift_right_arithmetic3A_300 : i32
    %shift_left3A_302 = arith.constant 7 : i32
    %shift_left3A_303 = arith.shli %shift_right_arithmetic3A_301, %shift_left3A_302 : i32
    %jit3A_304 = arith.constant 0 : i32
    %select_n3A_305 = arith.select %and3A_299, %shift_left3A_303, %jit3A_304 : i32
    %eq3A_306 = arith.constant 7 : i32
    %eq3A_307 = vector.broadcast %eq3A_306 : i32 to vector<16xi32>
    %eq3A_308 = arith.cmpi eq, %iota3A, %eq3A_307 : vector<16xi32>
    %and3A_309 = arith.constant 127 : i32
    %and3A_310 = arith.andi %reduce_sum3A_292, %and3A_309 : i32
    %broadcast_in_dim3A_311 = vector.broadcast %and3A_310 : i32 to vector<16xi32>
    %select_n3A_312 = arith.select %eq3A_308, %broadcast_in_dim3A_311, %select_n3A_272 : vector<16xi1>, vector<16xi32>
    %and3A_313 = vector.broadcast %and3A_299 : i1 to vector<16xi1>
    %and3A_314 = arith.andi %eq3A_308, %and3A_313 : vector<16xi1>
    %jit3A_315 = arith.constant 1 : i32
    %broadcast_in_dim3A_316 = vector.broadcast %jit3A_315 : i32 to vector<16xi32>
    %select_n3A_317 = arith.select %and3A_314, %broadcast_in_dim3A_316, %select_n3A_277 : vector<16xi1>, vector<16xi32>
    %multiple_of3A_318 = tpu.assume_multiple %select_n3A_305, 128 : i32
    %convert_element_type3A_319 = arith.extui %and3A_299 : i1 to i32
    %cond3A_320 = arith.constant 7 : i32
    %cond3A_321 = arith.constant 0 : i32
    %cond3A_322 = arith.cmpi ne, %convert_element_type3A_319, %cond3A_321 : i32
    scf.if %cond3A_322 {
      %dma_start3A = arith.constant 0 : i32
      %dma_start3A_379 = arith.constant 0 : i32
      %dma_start3A_380 = tpu.memref_slice %arg6[%cond3A_320, %dma_start3A, %dma_start3A_379] : memref<8x64x128xf32, #tpu.memory_space<vmem>> -> memref<1x64x128xf32, #tpu.memory_space<vmem>>
      %dma_start3A_381 = tpu.memref_squeeze %dma_start3A_380 : memref<1x64x128xf32, #tpu.memory_space<vmem>> -> memref<64x128xf32, #tpu.memory_space<vmem>>
      %dma_start3A_382 = arith.constant 0 : i32
      %dma_start3A_383 = tpu.memref_slice %arg3[%dma_start3A_382, %multiple_of3A_318] : memref<64x1000000xf32, #tpu.memory_space<hbm>> -> memref<64x128xf32, #tpu.memory_space<hbm>>
      %dma_start3A_384 = arith.constant 0 : i32
      %dma_start3A_385 = arith.constant 0 : i32
      %dma_start3A_386 = tpu.memref_slice %arg6[%cond3A_320, %dma_start3A_384, %dma_start3A_385] : memref<8x64x128xf32, #tpu.memory_space<vmem>> -> memref<1x64x128xf32, #tpu.memory_space<vmem>>
      %dma_start3A_387 = tpu.memref_squeeze %dma_start3A_386 : memref<1x64x128xf32, #tpu.memory_space<vmem>> -> memref<64x128xf32, #tpu.memory_space<vmem>>
      %dma_start3A_388 = arith.constant 0 : i32
      %dma_start3A_389 = tpu.memref_slice %arg3[%dma_start3A_388, %multiple_of3A_318] : memref<64x1000000xf32, #tpu.memory_space<hbm>> -> memref<64x128xf32, #tpu.memory_space<hbm>>
      tpu.enqueue_dma source(%dma_start3A_389 : memref<64x128xf32, #tpu.memory_space<hbm>>) target(%dma_start3A_387 : memref<64x128xf32, #tpu.memory_space<vmem>>) target_semaphore(%arg10 : memref<!tpu.dma_semaphore, #tpu.memory_space<semaphore_mem>>)
    } else {
    }
    %swap3A = arith.constant 0 : index
    %swap3A_323 = tpu.vector_load %arg7[%swap3A] {strides = array<i32>} : memref<16xi32, #tpu.memory_space<vmem>>, vector<16xi32>,
    tpu.vector_store %arg7[%swap3A], %select_n3A_312 {strides = array<i32>} : memref<16xi32, #tpu.memory_space<vmem>>, vector<16xi32>,
    %swap3A_324 = arith.constant 0 : index
    %swap3A_325 = tpu.vector_load %arg8[%swap3A_324] {strides = array<i32>} : memref<16xi32, #tpu.memory_space<vmem>>, vector<16xi32>,
    tpu.vector_store %arg8[%swap3A_324], %select_n3A_317 {strides = array<i32>} : memref<16xi32, #tpu.memory_space<vmem>>, vector<16xi32>,
    %convert_element_type3A_326 = arith.extui %and3A : i1 to i32
    %cond3A_327 = arith.constant 0 : i32
    %cond3A_328 = arith.constant 0 : i32
    %cond3A_329 = arith.cmpi ne, %convert_element_type3A_326, %cond3A_328 : i32
    scf.if %cond3A_329 {
      %dma_wait3A = arith.constant 0 : i32
      %dma_wait3A_379 = arith.constant 0 : i32
      %dma_wait3A_380 = tpu.memref_slice %arg6[%cond3A_327, %dma_wait3A, %dma_wait3A_379] : memref<8x64x128xf32, #tpu.memory_space<vmem>> -> memref<1x64x128xf32, #tpu.memory_space<vmem>>
      %dma_wait3A_381 = tpu.memref_squeeze %dma_wait3A_380 : memref<1x64x128xf32, #tpu.memory_space<vmem>> -> memref<64x128xf32, #tpu.memory_space<vmem>>
      %dma_wait3A_382 = arith.constant 0 : i32
      %dma_wait3A_383 = tpu.memref_slice %arg3[%dma_wait3A_382, %multiple_of3A_40] : memref<64x1000000xf32, #tpu.memory_space<hbm>> -> memref<64x128xf32, #tpu.memory_space<hbm>>
      %dma_wait3A_384 = arith.constant 0 : i32
      %dma_wait3A_385 = arith.constant 0 : i32
      %dma_wait3A_386 = tpu.memref_slice %arg6[%cond3A_327, %dma_wait3A_384, %dma_wait3A_385] : memref<8x64x128xf32, #tpu.memory_space<vmem>> -> memref<1x64x128xf32, #tpu.memory_space<vmem>>
      %dma_wait3A_387 = tpu.memref_squeeze %dma_wait3A_386 : memref<1x64x128xf32, #tpu.memory_space<vmem>> -> memref<64x128xf32, #tpu.memory_space<vmem>>
      %dma_wait3A_388 = arith.constant 0 : i32
      %dma_wait3A_389 = tpu.memref_slice %arg3[%dma_wait3A_388, %multiple_of3A_40] : memref<64x1000000xf32, #tpu.memory_space<hbm>> -> memref<64x128xf32, #tpu.memory_space<hbm>>
      tpu.wait_dma2 semaphore(%arg10 : memref<!tpu.dma_semaphore, #tpu.memory_space<semaphore_mem>>) src(%dma_wait3A_389 : memref<64x128xf32, #tpu.memory_space<hbm>>) dst(%dma_wait3A_387 : memref<64x128xf32, #tpu.memory_space<vmem>>)
    } else {
    }
    %convert_element_type3A_330 = arith.extui %and3A_59 : i1 to i32
    %cond3A_331 = arith.constant 1 : i32
    %cond3A_332 = arith.constant 0 : i32
    %cond3A_333 = arith.cmpi ne, %convert_element_type3A_330, %cond3A_332 : i32
    scf.if %cond3A_333 {
      %dma_wait3A = arith.constant 0 : i32
      %dma_wait3A_379 = arith.constant 0 : i32
      %dma_wait3A_380 = tpu.memref_slice %arg6[%cond3A_331, %dma_wait3A, %dma_wait3A_379] : memref<8x64x128xf32, #tpu.memory_space<vmem>> -> memref<1x64x128xf32, #tpu.memory_space<vmem>>
      %dma_wait3A_381 = tpu.memref_squeeze %dma_wait3A_380 : memref<1x64x128xf32, #tpu.memory_space<vmem>> -> memref<64x128xf32, #tpu.memory_space<vmem>>
      %dma_wait3A_382 = arith.constant 0 : i32
      %dma_wait3A_383 = tpu.memref_slice %arg3[%dma_wait3A_382, %multiple_of3A_78] : memref<64x1000000xf32, #tpu.memory_space<hbm>> -> memref<64x128xf32, #tpu.memory_space<hbm>>
      %dma_wait3A_384 = arith.constant 0 : i32
      %dma_wait3A_385 = arith.constant 0 : i32
      %dma_wait3A_386 = tpu.memref_slice %arg6[%cond3A_331, %dma_wait3A_384, %dma_wait3A_385] : memref<8x64x128xf32, #tpu.memory_space<vmem>> -> memref<1x64x128xf32, #tpu.memory_space<vmem>>
      %dma_wait3A_387 = tpu.memref_squeeze %dma_wait3A_386 : memref<1x64x128xf32, #tpu.memory_space<vmem>> -> memref<64x128xf32, #tpu.memory_space<vmem>>
      %dma_wait3A_388 = arith.constant 0 : i32
      %dma_wait3A_389 = tpu.memref_slice %arg3[%dma_wait3A_388, %multiple_of3A_78] : memref<64x1000000xf32, #tpu.memory_space<hbm>> -> memref<64x128xf32, #tpu.memory_space<hbm>>
      tpu.wait_dma2 semaphore(%arg10 : memref<!tpu.dma_semaphore, #tpu.memory_space<semaphore_mem>>) src(%dma_wait3A_389 : memref<64x128xf32, #tpu.memory_space<hbm>>) dst(%dma_wait3A_387 : memref<64x128xf32, #tpu.memory_space<vmem>>)
    } else {
    }
    %convert_element_type3A_334 = arith.extui %and3A_99 : i1 to i32
    %cond3A_335 = arith.constant 2 : i32
    %cond3A_336 = arith.constant 0 : i32
    %cond3A_337 = arith.cmpi ne, %convert_element_type3A_334, %cond3A_336 : i32
    scf.if %cond3A_337 {
      %dma_wait3A = arith.constant 0 : i32
      %dma_wait3A_379 = arith.constant 0 : i32
      %dma_wait3A_380 = tpu.memref_slice %arg6[%cond3A_335, %dma_wait3A, %dma_wait3A_379] : memref<8x64x128xf32, #tpu.memory_space<vmem>> -> memref<1x64x128xf32, #tpu.memory_space<vmem>>
      %dma_wait3A_381 = tpu.memref_squeeze %dma_wait3A_380 : memref<1x64x128xf32, #tpu.memory_space<vmem>> -> memref<64x128xf32, #tpu.memory_space<vmem>>
      %dma_wait3A_382 = arith.constant 0 : i32
      %dma_wait3A_383 = tpu.memref_slice %arg3[%dma_wait3A_382, %multiple_of3A_118] : memref<64x1000000xf32, #tpu.memory_space<hbm>> -> memref<64x128xf32, #tpu.memory_space<hbm>>
      %dma_wait3A_384 = arith.constant 0 : i32
      %dma_wait3A_385 = arith.constant 0 : i32
      %dma_wait3A_386 = tpu.memref_slice %arg6[%cond3A_335, %dma_wait3A_384, %dma_wait3A_385] : memref<8x64x128xf32, #tpu.memory_space<vmem>> -> memref<1x64x128xf32, #tpu.memory_space<vmem>>
      %dma_wait3A_387 = tpu.memref_squeeze %dma_wait3A_386 : memref<1x64x128xf32, #tpu.memory_space<vmem>> -> memref<64x128xf32, #tpu.memory_space<vmem>>
      %dma_wait3A_388 = arith.constant 0 : i32
      %dma_wait3A_389 = tpu.memref_slice %arg3[%dma_wait3A_388, %multiple_of3A_118] : memref<64x1000000xf32, #tpu.memory_space<hbm>> -> memref<64x128xf32, #tpu.memory_space<hbm>>
      tpu.wait_dma2 semaphore(%arg10 : memref<!tpu.dma_semaphore, #tpu.memory_space<semaphore_mem>>) src(%dma_wait3A_389 : memref<64x128xf32, #tpu.memory_space<hbm>>) dst(%dma_wait3A_387 : memref<64x128xf32, #tpu.memory_space<vmem>>)
    } else {
    }
    %convert_element_type3A_338 = arith.extui %and3A_139 : i1 to i32
    %cond3A_339 = arith.constant 3 : i32
    %cond3A_340 = arith.constant 0 : i32
    %cond3A_341 = arith.cmpi ne, %convert_element_type3A_338, %cond3A_340 : i32
    scf.if %cond3A_341 {
      %dma_wait3A = arith.constant 0 : i32
      %dma_wait3A_379 = arith.constant 0 : i32
      %dma_wait3A_380 = tpu.memref_slice %arg6[%cond3A_339, %dma_wait3A, %dma_wait3A_379] : memref<8x64x128xf32, #tpu.memory_space<vmem>> -> memref<1x64x128xf32, #tpu.memory_space<vmem>>
      %dma_wait3A_381 = tpu.memref_squeeze %dma_wait3A_380 : memref<1x64x128xf32, #tpu.memory_space<vmem>> -> memref<64x128xf32, #tpu.memory_space<vmem>>
      %dma_wait3A_382 = arith.constant 0 : i32
      %dma_wait3A_383 = tpu.memref_slice %arg3[%dma_wait3A_382, %multiple_of3A_158] : memref<64x1000000xf32, #tpu.memory_space<hbm>> -> memref<64x128xf32, #tpu.memory_space<hbm>>
      %dma_wait3A_384 = arith.constant 0 : i32
      %dma_wait3A_385 = arith.constant 0 : i32
      %dma_wait3A_386 = tpu.memref_slice %arg6[%cond3A_339, %dma_wait3A_384, %dma_wait3A_385] : memref<8x64x128xf32, #tpu.memory_space<vmem>> -> memref<1x64x128xf32, #tpu.memory_space<vmem>>
      %dma_wait3A_387 = tpu.memref_squeeze %dma_wait3A_386 : memref<1x64x128xf32, #tpu.memory_space<vmem>> -> memref<64x128xf32, #tpu.memory_space<vmem>>
      %dma_wait3A_388 = arith.constant 0 : i32
      %dma_wait3A_389 = tpu.memref_slice %arg3[%dma_wait3A_388, %multiple_of3A_158] : memref<64x1000000xf32, #tpu.memory_space<hbm>> -> memref<64x128xf32, #tpu.memory_space<hbm>>
      tpu.wait_dma2 semaphore(%arg10 : memref<!tpu.dma_semaphore, #tpu.memory_space<semaphore_mem>>) src(%dma_wait3A_389 : memref<64x128xf32, #tpu.memory_space<hbm>>) dst(%dma_wait3A_387 : memref<64x128xf32, #tpu.memory_space<vmem>>)
    } else {
    }
    %convert_element_type3A_342 = arith.extui %and3A_179 : i1 to i32
    %cond3A_343 = arith.constant 4 : i32
    %cond3A_344 = arith.constant 0 : i32
    %cond3A_345 = arith.cmpi ne, %convert_element_type3A_342, %cond3A_344 : i32
    scf.if %cond3A_345 {
      %dma_wait3A = arith.constant 0 : i32
      %dma_wait3A_379 = arith.constant 0 : i32
      %dma_wait3A_380 = tpu.memref_slice %arg6[%cond3A_343, %dma_wait3A, %dma_wait3A_379] : memref<8x64x128xf32, #tpu.memory_space<vmem>> -> memref<1x64x128xf32, #tpu.memory_space<vmem>>
      %dma_wait3A_381 = tpu.memref_squeeze %dma_wait3A_380 : memref<1x64x128xf32, #tpu.memory_space<vmem>> -> memref<64x128xf32, #tpu.memory_space<vmem>>
      %dma_wait3A_382 = arith.constant 0 : i32
      %dma_wait3A_383 = tpu.memref_slice %arg3[%dma_wait3A_382, %multiple_of3A_198] : memref<64x1000000xf32, #tpu.memory_space<hbm>> -> memref<64x128xf32, #tpu.memory_space<hbm>>
      %dma_wait3A_384 = arith.constant 0 : i32
      %dma_wait3A_385 = arith.constant 0 : i32
      %dma_wait3A_386 = tpu.memref_slice %arg6[%cond3A_343, %dma_wait3A_384, %dma_wait3A_385] : memref<8x64x128xf32, #tpu.memory_space<vmem>> -> memref<1x64x128xf32, #tpu.memory_space<vmem>>
      %dma_wait3A_387 = tpu.memref_squeeze %dma_wait3A_386 : memref<1x64x128xf32, #tpu.memory_space<vmem>> -> memref<64x128xf32, #tpu.memory_space<vmem>>
      %dma_wait3A_388 = arith.constant 0 : i32
      %dma_wait3A_389 = tpu.memref_slice %arg3[%dma_wait3A_388, %multiple_of3A_198] : memref<64x1000000xf32, #tpu.memory_space<hbm>> -> memref<64x128xf32, #tpu.memory_space<hbm>>
      tpu.wait_dma2 semaphore(%arg10 : memref<!tpu.dma_semaphore, #tpu.memory_space<semaphore_mem>>) src(%dma_wait3A_389 : memref<64x128xf32, #tpu.memory_space<hbm>>) dst(%dma_wait3A_387 : memref<64x128xf32, #tpu.memory_space<vmem>>)
    } else {
    }
    %convert_element_type3A_346 = arith.extui %and3A_219 : i1 to i32
    %cond3A_347 = arith.constant 5 : i32
    %cond3A_348 = arith.constant 0 : i32
    %cond3A_349 = arith.cmpi ne, %convert_element_type3A_346, %cond3A_348 : i32
    scf.if %cond3A_349 {
      %dma_wait3A = arith.constant 0 : i32
      %dma_wait3A_379 = arith.constant 0 : i32
      %dma_wait3A_380 = tpu.memref_slice %arg6[%cond3A_347, %dma_wait3A, %dma_wait3A_379] : memref<8x64x128xf32, #tpu.memory_space<vmem>> -> memref<1x64x128xf32, #tpu.memory_space<vmem>>
      %dma_wait3A_381 = tpu.memref_squeeze %dma_wait3A_380 : memref<1x64x128xf32, #tpu.memory_space<vmem>> -> memref<64x128xf32, #tpu.memory_space<vmem>>
      %dma_wait3A_382 = arith.constant 0 : i32
      %dma_wait3A_383 = tpu.memref_slice %arg3[%dma_wait3A_382, %multiple_of3A_238] : memref<64x1000000xf32, #tpu.memory_space<hbm>> -> memref<64x128xf32, #tpu.memory_space<hbm>>
      %dma_wait3A_384 = arith.constant 0 : i32
      %dma_wait3A_385 = arith.constant 0 : i32
      %dma_wait3A_386 = tpu.memref_slice %arg6[%cond3A_347, %dma_wait3A_384, %dma_wait3A_385] : memref<8x64x128xf32, #tpu.memory_space<vmem>> -> memref<1x64x128xf32, #tpu.memory_space<vmem>>
      %dma_wait3A_387 = tpu.memref_squeeze %dma_wait3A_386 : memref<1x64x128xf32, #tpu.memory_space<vmem>> -> memref<64x128xf32, #tpu.memory_space<vmem>>
      %dma_wait3A_388 = arith.constant 0 : i32
      %dma_wait3A_389 = tpu.memref_slice %arg3[%dma_wait3A_388, %multiple_of3A_238] : memref<64x1000000xf32, #tpu.memory_space<hbm>> -> memref<64x128xf32, #tpu.memory_space<hbm>>
      tpu.wait_dma2 semaphore(%arg10 : memref<!tpu.dma_semaphore, #tpu.memory_space<semaphore_mem>>) src(%dma_wait3A_389 : memref<64x128xf32, #tpu.memory_space<hbm>>) dst(%dma_wait3A_387 : memref<64x128xf32, #tpu.memory_space<vmem>>)
    } else {
    }
    %convert_element_type3A_350 = arith.extui %and3A_259 : i1 to i32
    %cond3A_351 = arith.constant 6 : i32
    %cond3A_352 = arith.constant 0 : i32
    %cond3A_353 = arith.cmpi ne, %convert_element_type3A_350, %cond3A_352 : i32
    scf.if %cond3A_353 {
      %dma_wait3A = arith.constant 0 : i32
      %dma_wait3A_379 = arith.constant 0 : i32
      %dma_wait3A_380 = tpu.memref_slice %arg6[%cond3A_351, %dma_wait3A, %dma_wait3A_379] : memref<8x64x128xf32, #tpu.memory_space<vmem>> -> memref<1x64x128xf32, #tpu.memory_space<vmem>>
      %dma_wait3A_381 = tpu.memref_squeeze %dma_wait3A_380 : memref<1x64x128xf32, #tpu.memory_space<vmem>> -> memref<64x128xf32, #tpu.memory_space<vmem>>
      %dma_wait3A_382 = arith.constant 0 : i32
      %dma_wait3A_383 = tpu.memref_slice %arg3[%dma_wait3A_382, %multiple_of3A_278] : memref<64x1000000xf32, #tpu.memory_space<hbm>> -> memref<64x128xf32, #tpu.memory_space<hbm>>
      %dma_wait3A_384 = arith.constant 0 : i32
      %dma_wait3A_385 = arith.constant 0 : i32
      %dma_wait3A_386 = tpu.memref_slice %arg6[%cond3A_351, %dma_wait3A_384, %dma_wait3A_385] : memref<8x64x128xf32, #tpu.memory_space<vmem>> -> memref<1x64x128xf32, #tpu.memory_space<vmem>>
      %dma_wait3A_387 = tpu.memref_squeeze %dma_wait3A_386 : memref<1x64x128xf32, #tpu.memory_space<vmem>> -> memref<64x128xf32, #tpu.memory_space<vmem>>
      %dma_wait3A_388 = arith.constant 0 : i32
      %dma_wait3A_389 = tpu.memref_slice %arg3[%dma_wait3A_388, %multiple_of3A_278] : memref<64x1000000xf32, #tpu.memory_space<hbm>> -> memref<64x128xf32, #tpu.memory_space<hbm>>
      tpu.wait_dma2 semaphore(%arg10 : memref<!tpu.dma_semaphore, #tpu.memory_space<semaphore_mem>>) src(%dma_wait3A_389 : memref<64x128xf32, #tpu.memory_space<hbm>>) dst(%dma_wait3A_387 : memref<64x128xf32, #tpu.memory_space<vmem>>)
    } else {
    }
    %convert_element_type3A_354 = arith.extui %and3A_299 : i1 to i32
    %cond3A_355 = arith.constant 7 : i32
    %cond3A_356 = arith.constant 0 : i32
    %cond3A_357 = arith.cmpi ne, %convert_element_type3A_354, %cond3A_356 : i32
    scf.if %cond3A_357 {
      %dma_wait3A = arith.constant 0 : i32
      %dma_wait3A_379 = arith.constant 0 : i32
      %dma_wait3A_380 = tpu.memref_slice %arg6[%cond3A_355, %dma_wait3A, %dma_wait3A_379] : memref<8x64x128xf32, #tpu.memory_space<vmem>> -> memref<1x64x128xf32, #tpu.memory_space<vmem>>
      %dma_wait3A_381 = tpu.memref_squeeze %dma_wait3A_380 : memref<1x64x128xf32, #tpu.memory_space<vmem>> -> memref<64x128xf32, #tpu.memory_space<vmem>>
      %dma_wait3A_382 = arith.constant 0 : i32
      %dma_wait3A_383 = tpu.memref_slice %arg3[%dma_wait3A_382, %multiple_of3A_318] : memref<64x1000000xf32, #tpu.memory_space<hbm>> -> memref<64x128xf32, #tpu.memory_space<hbm>>
      %dma_wait3A_384 = arith.constant 0 : i32
      %dma_wait3A_385 = arith.constant 0 : i32
      %dma_wait3A_386 = tpu.memref_slice %arg6[%cond3A_355, %dma_wait3A_384, %dma_wait3A_385] : memref<8x64x128xf32, #tpu.memory_space<vmem>> -> memref<1x64x128xf32, #tpu.memory_space<vmem>>
      %dma_wait3A_387 = tpu.memref_squeeze %dma_wait3A_386 : memref<1x64x128xf32, #tpu.memory_space<vmem>> -> memref<64x128xf32, #tpu.memory_space<vmem>>
      %dma_wait3A_388 = arith.constant 0 : i32
      %dma_wait3A_389 = tpu.memref_slice %arg3[%dma_wait3A_388, %multiple_of3A_318] : memref<64x1000000xf32, #tpu.memory_space<hbm>> -> memref<64x128xf32, #tpu.memory_space<hbm>>
      tpu.wait_dma2 semaphore(%arg10 : memref<!tpu.dma_semaphore, #tpu.memory_space<semaphore_mem>>) src(%dma_wait3A_389 : memref<64x128xf32, #tpu.memory_space<hbm>>) dst(%dma_wait3A_387 : memref<64x128xf32, #tpu.memory_space<vmem>>)
    } else {
    }
    %broadcast_in_dim3A_358 = arith.constant 0.000000e+00 : f32
    %broadcast_in_dim3A_359 = vector.broadcast %broadcast_in_dim3A_358 : f32 to vector<16xf32>
    %broadcast_in_dim3A_360 = arith.constant 0.000000e+00 : f32
    %broadcast_in_dim3A_361 = vector.broadcast %broadcast_in_dim3A_360 : f32 to vector<16xf32>
    %broadcast_in_dim3A_362 = arith.constant 0.000000e+00 : f32
    %broadcast_in_dim3A_363 = vector.broadcast %broadcast_in_dim3A_362 : f32 to vector<16xf32>
    %broadcast_in_dim3A_364 = arith.constant 0.000000e+00 : f32
    %broadcast_in_dim3A_365 = vector.broadcast %broadcast_in_dim3A_364 : f32 to vector<16xf32>
    %scan3A = arith.constant 0 : i32
    %scan3A_366 = arith.constant 8 : i32
    %scan3A_367 = arith.addi %scan3A, %scan3A_366 : i32
    %scan3A_368 = arith.constant 1 : i32
    %scan3A_369:4 = scf.for %scan3A_379 = %scan3A to %scan3A_367 step %scan3A_368 iter_args(%scan3A_380 = %broadcast_in_dim3A_359, %scan3A_381 = %broadcast_in_dim3A_361, %scan3A_382 = %broadcast_in_dim3A_363, %scan3A_383 = %broadcast_in_dim3A_365) -> (vector<16xf32>, vector<16xf32>, vector<16xf32>, vector<16xf32>)  : i32 {
      %broadcast_in_dim3A_384 = vector.broadcast %scan3A_379 : i32 to vector<16xi32>
      %gather3A = tpu.vector_load_idx %arg7[%broadcast_in_dim3A_384] : memref<16xi32, #tpu.memory_space<vmem>>[vector<16xi32>], vector<16xi32>,
      %gather3A_385 = tpu.vector_load_idx %arg8[%broadcast_in_dim3A_384] : memref<16xi32, #tpu.memory_space<vmem>>[vector<16xi32>], vector<16xi32>,
      %gt3A = arith.constant 0 : i32
      %gt3A_386 = vector.broadcast %gt3A : i32 to vector<16xi32>
      %gt3A_387 = arith.cmpi sgt, %gather3A_385, %gt3A_386 : vector<16xi32>
      %add3A_388 = arith.constant 0 : i32
      %add3A_389 = vector.broadcast %add3A_388 : i32 to vector<16xi32>
      %add3A_390 = arith.addi %iota3A, %add3A_389 : vector<16xi32>
      %gather3A_391 = tpu.vector_load_idx %arg6[%broadcast_in_dim3A_384, %add3A_390, %gather3A] : memref<8x64x128xf32, #tpu.memory_space<vmem>>[vector<16xi32>, vector<16xi32>, vector<16xi32>], vector<16xf32>,
      %jit3A_392 = arith.constant 0.000000e+00 : f32
      %broadcast_in_dim3A_393 = vector.broadcast %jit3A_392 : f32 to vector<16xf32>
      %select_n3A_394 = arith.select %gt3A_387, %gather3A_391, %broadcast_in_dim3A_393 : vector<16xi1>, vector<16xf32>
      %add3A_395 = arith.addf %scan3A_380, %select_n3A_394 : vector<16xf32>
      %add3A_396 = arith.constant 16 : i32
      %add3A_397 = vector.broadcast %add3A_396 : i32 to vector<16xi32>
      %add3A_398 = arith.addi %iota3A, %add3A_397 : vector<16xi32>
      %gather3A_399 = tpu.vector_load_idx %arg6[%broadcast_in_dim3A_384, %add3A_398, %gather3A] : memref<8x64x128xf32, #tpu.memory_space<vmem>>[vector<16xi32>, vector<16xi32>, vector<16xi32>], vector<16xf32>,
      %jit3A_400 = arith.constant 0.000000e+00 : f32
      %broadcast_in_dim3A_401 = vector.broadcast %jit3A_400 : f32 to vector<16xf32>
      %select_n3A_402 = arith.select %gt3A_387, %gather3A_399, %broadcast_in_dim3A_401 : vector<16xi1>, vector<16xf32>
      %add3A_403 = arith.addf %scan3A_381, %select_n3A_402 : vector<16xf32>
      %add3A_404 = arith.constant 32 : i32
      %add3A_405 = vector.broadcast %add3A_404 : i32 to vector<16xi32>
      %add3A_406 = arith.addi %iota3A, %add3A_405 : vector<16xi32>
      %gather3A_407 = tpu.vector_load_idx %arg6[%broadcast_in_dim3A_384, %add3A_406, %gather3A] : memref<8x64x128xf32, #tpu.memory_space<vmem>>[vector<16xi32>, vector<16xi32>, vector<16xi32>], vector<16xf32>,
      %jit3A_408 = arith.constant 0.000000e+00 : f32
      %broadcast_in_dim3A_409 = vector.broadcast %jit3A_408 : f32 to vector<16xf32>
      %select_n3A_410 = arith.select %gt3A_387, %gather3A_407, %broadcast_in_dim3A_409 : vector<16xi1>, vector<16xf32>
      %add3A_411 = arith.addf %scan3A_382, %select_n3A_410 : vector<16xf32>
      %add3A_412 = arith.constant 48 : i32
      %add3A_413 = vector.broadcast %add3A_412 : i32 to vector<16xi32>
      %add3A_414 = arith.addi %iota3A, %add3A_413 : vector<16xi32>
      %gather3A_415 = tpu.vector_load_idx %arg6[%broadcast_in_dim3A_384, %add3A_414, %gather3A] : memref<8x64x128xf32, #tpu.memory_space<vmem>>[vector<16xi32>, vector<16xi32>, vector<16xi32>], vector<16xf32>,
      %jit3A_416 = arith.constant 0.000000e+00 : f32
      %broadcast_in_dim3A_417 = vector.broadcast %jit3A_416 : f32 to vector<16xf32>
      %select_n3A_418 = arith.select %gt3A_387, %gather3A_415, %broadcast_in_dim3A_417 : vector<16xi1>, vector<16xf32>
      %add3A_419 = arith.addf %scan3A_383, %select_n3A_418 : vector<16xf32>
      scf.yield %add3A_395, %add3A_403, %add3A_411, %add3A_419 : vector<16xf32>, vector<16xf32>, vector<16xf32>, vector<16xf32>
    }
    %scan3A_370 = arith.constant 8 : i32
    %swap3A_371 = arith.constant 0 : index
    %swap3A_372 = tpu.vector_load %arg9[%swap3A_371] {strides = array<i32>} : memref<64xf32, #tpu.memory_space<vmem>>, vector<16xf32>,
    tpu.vector_store %arg9[%swap3A_371], %scan3A_369#0 {strides = array<i32>} : memref<64xf32, #tpu.memory_space<vmem>>, vector<16xf32>,
    %swap3A_373 = arith.constant 16 : index
    %swap3A_374 = tpu.vector_load %arg9[%swap3A_373] {strides = array<i32>} : memref<64xf32, #tpu.memory_space<vmem>>, vector<16xf32>,
    tpu.vector_store %arg9[%swap3A_373], %scan3A_369#1 {strides = array<i32>} : memref<64xf32, #tpu.memory_space<vmem>>, vector<16xf32>,
    %swap3A_375 = arith.constant 32 : index
    %swap3A_376 = tpu.vector_load %arg9[%swap3A_375] {strides = array<i32>} : memref<64xf32, #tpu.memory_space<vmem>>, vector<16xf32>,
    tpu.vector_store %arg9[%swap3A_375], %scan3A_369#2 {strides = array<i32>} : memref<64xf32, #tpu.memory_space<vmem>>, vector<16xf32>,
    %swap3A_377 = arith.constant 48 : index
    %swap3A_378 = tpu.vector_load %arg9[%swap3A_377] {strides = array<i32>} : memref<64xf32, #tpu.memory_space<vmem>>, vector<16xf32>,
    tpu.vector_store %arg9[%swap3A_377], %scan3A_369#3 {strides = array<i32>} : memref<64xf32, #tpu.memory_space<vmem>>, vector<16xf32>,
    "tpu.region"() ({
      %run_scoped3A = tpu.sem_alloc : memref<!tpu.dma_semaphore, #tpu.memory_space<semaphore_mem>>
      %dma_start3A = arith.constant 0 : i32
      %dma_start3A_379 = tpu.memref_slice %arg4[%add3A, %dma_start3A] : memref<32x64xf32, #tpu.memory_space<hbm>> -> memref<1x64xf32, #tpu.memory_space<hbm>>
      %dma_start3A_380 = tpu.memref_squeeze %dma_start3A_379 : memref<1x64xf32, #tpu.memory_space<hbm>> -> memref<64xf32, #tpu.memory_space<hbm>>
      %dma_start3A_381 = arith.constant 0 : i32
      %dma_start3A_382 = tpu.memref_slice %arg4[%add3A, %dma_start3A_381] : memref<32x64xf32, #tpu.memory_space<hbm>> -> memref<1x64xf32, #tpu.memory_space<hbm>>
      %dma_start3A_383 = tpu.memref_squeeze %dma_start3A_382 : memref<1x64xf32, #tpu.memory_space<hbm>> -> memref<64xf32, #tpu.memory_space<hbm>>
      tpu.enqueue_dma source(%arg9 : memref<64xf32, #tpu.memory_space<vmem>>) target(%dma_start3A_383 : memref<64xf32, #tpu.memory_space<hbm>>) target_semaphore(%run_scoped3A : memref<!tpu.dma_semaphore, #tpu.memory_space<semaphore_mem>>)
      %dma_wait3A = arith.constant 0 : i32
      %dma_wait3A_384 = tpu.memref_slice %arg4[%add3A, %dma_wait3A] : memref<32x64xf32, #tpu.memory_space<hbm>> -> memref<1x64xf32, #tpu.memory_space<hbm>>
      %dma_wait3A_385 = tpu.memref_squeeze %dma_wait3A_384 : memref<1x64xf32, #tpu.memory_space<hbm>> -> memref<64xf32, #tpu.memory_space<hbm>>
      %dma_wait3A_386 = arith.constant 0 : i32
      %dma_wait3A_387 = tpu.memref_slice %arg4[%add3A, %dma_wait3A_386] : memref<32x64xf32, #tpu.memory_space<hbm>> -> memref<1x64xf32, #tpu.memory_space<hbm>>
      %dma_wait3A_388 = tpu.memref_squeeze %dma_wait3A_387 : memref<1x64xf32, #tpu.memory_space<hbm>> -> memref<64xf32, #tpu.memory_space<hbm>>
      tpu.wait_dma2 semaphore(%run_scoped3A : memref<!tpu.dma_semaphore, #tpu.memory_space<semaphore_mem>>) src(%arg9 : memref<64xf32, #tpu.memory_space<vmem>>) dst(%dma_wait3A_388 : memref<64xf32, #tpu.memory_space<hbm>>)
      tpu.yield
    }) : () -> ()
    return
  }
}

module attributes {stable_mosaic.version = 14 : i64} {
  func.func @_tc_matvec(%arg0: memref<1024x2048xf32, #tpu.memory_space<vmem>>, %arg1: memref<1x2112xf32, #tpu.memory_space<vmem>>, %arg2: memref<1x1xf32, #tpu.memory_space<vmem>>, %arg3: memref<1x1024xf32, #tpu.memory_space<vmem>>) attributes {dimension_semantics = [], scalar_prefetch = 0 : i64, scratch_operands = 0 : i64, tpu.core_type = #tpu.core_type<tc>} {
    %get3A = arith.constant 0 : index
    %get3A_0 = arith.constant 64 : index
    %get3A_1 = vector.load %arg1[%get3A, %get3A_0] : memref<1x2112xf32, #tpu.memory_space<vmem>>, vector<1x2048xf32>
    %get3A_2 = arith.constant 0 : index
    %get3A_3 = arith.constant 0 : index
    %get3A_4 = vector.load %arg0[%get3A_2, %get3A_3] : memref<1024x2048xf32, #tpu.memory_space<vmem>>, vector<1024x2048xf32>
    %dot_general3A = arith.constant dense<0.000000e+00> : vector<1x1024xf32>
    %dot_general3A_5 = tpu.matmul %get3A_1, %get3A_4, %dot_general3A {dimension_numbers = #tpu.dot_dimension_numbers<[1], [1], [0], [0], [0, 0, 1, 0], [], []>, transpose_lhs_hint = false} : vector<1x2048xf32>, vector<1024x2048xf32>, vector<1x1024xf32> -> vector<1x1024xf32>
    %get3A_6 = arith.constant 0 : index
    %get3A_7 = arith.constant 0 : index
    %get3A_8 = vector.load %arg2[%get3A_6, %get3A_7] : memref<1x1xf32, #tpu.memory_space<vmem>>, vector<1x1xf32>
    %get3A_9 = vector.extract %get3A_8[0, 0] : f32 from vector<1x1xf32>
    %add3A = vector.broadcast %get3A_9 : f32 to vector<1x1024xf32>
    %add3A_10 = arith.addf %dot_general3A_5, %add3A : vector<1x1024xf32>
    %swap3A = arith.constant 0 : index
    %swap3A_11 = arith.constant 0 : index
    %swap3A_12 = vector.load %arg3[%swap3A, %swap3A_11] : memref<1x1024xf32, #tpu.memory_space<vmem>>, vector<1x1024xf32>
    tpu.vector_store %arg3[%swap3A, %swap3A_11], %add3A_10 {strides = array<i32>} : memref<1x1024xf32, #tpu.memory_space<vmem>>, vector<1x1024xf32>,
    return
  }
}

module attributes {stable_mosaic.version = 14 : i64} {
  func.func @_tc_combine(%arg0: memref<1x1024xf32, #tpu.memory_space<vmem>>, %arg1: memref<32x64xf32, #tpu.memory_space<vmem>>, %arg2: memref<1x2112xf32, #tpu.memory_space<vmem>>, %arg3: memref<64x64xf32, #tpu.memory_space<vmem>>, %arg4: memref<1x200xi32, #tpu.memory_space<vmem>>, %arg5: memref<1x1024xf32, #tpu.memory_space<vmem>>) attributes {dimension_semantics = [], scalar_prefetch = 0 : i64, scratch_operands = 0 : i64, tpu.core_type = #tpu.core_type<tc>} {
    %get3A = arith.constant 0 : index
    %get3A_0 = arith.constant 0 : index
    %get3A_1 = vector.load %arg2[%get3A, %get3A_0] : memref<1x2112xf32, #tpu.memory_space<vmem>>, vector<1x64xf32>
    %get3A_2 = arith.constant 0 : index
    %get3A_3 = arith.constant 0 : index
    %get3A_4 = vector.load %arg1[%get3A_2, %get3A_3] : memref<32x64xf32, #tpu.memory_space<vmem>>, vector<32x64xf32>
    %mul3A = vector.broadcast %get3A_1 : vector<1x64xf32> to vector<32x64xf32>
    %mul3A_5 = arith.mulf %get3A_4, %mul3A : vector<32x64xf32>
    %reduce_sum3A = vector.shape_cast %mul3A_5 : vector<32x64xf32> to vector<1x32x64xf32>
    %reduce_sum3A_6 = arith.constant dense<0.000000e+00> : vector<1xf32>
    %reduce_sum3A_7 = vector.multi_reduction <add>, %reduce_sum3A, %reduce_sum3A_6 [1, 2] : vector<1x32x64xf32> to vector<1xf32>
    %reduce_sum3A_8 = vector.shape_cast %reduce_sum3A_7 : vector<1xf32> to vector<1x1x1xf32>
    %reduce_sum3A_9 = vector.extract %reduce_sum3A_8[0, 0, 0] : f32 from vector<1x1x1xf32>
    %get3A_10 = arith.constant 0 : index
    %get3A_11 = arith.constant 0 : index
    %get3A_12 = vector.load %arg4[%get3A_10, %get3A_11] : memref<1x200xi32, #tpu.memory_space<vmem>>, vector<1x200xi32>
    %broadcast_in_dim3A = vector.shape_cast %get3A_12 : vector<1x200xi32> to vector<1x200xi32>
    %broadcast_in_dim3A_13 = vector.broadcast %broadcast_in_dim3A : vector<1x200xi32> to vector<64x200xi32>
    %iota3A = tpu.iota {dimensions = array<i32: 0>} : vector<64x200xi32>
    %add3A = arith.constant 999936 : i32
    %add3A_14 = vector.broadcast %add3A : i32 to vector<64x200xi32>
    %add3A_15 = arith.addi %iota3A, %add3A_14 : vector<64x200xi32>
    %eq3A = arith.cmpi eq, %broadcast_in_dim3A_13, %add3A_15 : vector<64x200xi32>
    %convert_element_type3A = arith.extui %eq3A : vector<64x200xi1> to vector<64x200xi32>
    %convert_element_type3A_16 = arith.sitofp %convert_element_type3A : vector<64x200xi32> to vector<64x200xf32>
    %get3A_17 = arith.constant 0 : index
    %get3A_18 = arith.constant 0 : index
    %get3A_19 = vector.load %arg3[%get3A_17, %get3A_18] : memref<64x64xf32, #tpu.memory_space<vmem>>, vector<64x64xf32>
    %dot_general3A = arith.constant dense<0.000000e+00> : vector<1x64xf32>
    %dot_general3A_20 = tpu.matmul %get3A_1, %get3A_19, %dot_general3A {dimension_numbers = #tpu.dot_dimension_numbers<[1], [0], [0], [1], [0, 0, 1, 1], [], []>, transpose_lhs_hint = false} : vector<1x64xf32>, vector<64x64xf32>, vector<1x64xf32> -> vector<1x64xf32>
    %dot_general3A_21 = arith.constant dense<0.000000e+00> : vector<1x200xf32>
    %dot_general3A_22 = tpu.matmul %dot_general3A_20, %convert_element_type3A_16, %dot_general3A_21 {dimension_numbers = #tpu.dot_dimension_numbers<[1], [0], [0], [1], [0, 0, 1, 1], [], []>, transpose_lhs_hint = false} : vector<1x64xf32>, vector<64x200xf32>, vector<1x200xf32> -> vector<1x200xf32>
    %reduce_sum3A_23 = vector.shape_cast %dot_general3A_22 : vector<1x200xf32> to vector<1x1x200xf32>
    %reduce_sum3A_24 = arith.constant dense<0.000000e+00> : vector<1xf32>
    %reduce_sum3A_25 = vector.multi_reduction <add>, %reduce_sum3A_23, %reduce_sum3A_24 [1, 2] : vector<1x1x200xf32> to vector<1xf32>
    %reduce_sum3A_26 = vector.shape_cast %reduce_sum3A_25 : vector<1xf32> to vector<1x1x1xf32>
    %reduce_sum3A_27 = vector.extract %reduce_sum3A_26[0, 0, 0] : f32 from vector<1x1x1xf32>
    %get3A_28 = arith.constant 0 : index
    %get3A_29 = arith.constant 0 : index
    %get3A_30 = vector.load %arg0[%get3A_28, %get3A_29] : memref<1x1024xf32, #tpu.memory_space<vmem>>, vector<1x1024xf32>
    %add3A_31 = arith.addf %reduce_sum3A_9, %reduce_sum3A_27 : f32
    %add3A_32 = vector.broadcast %add3A_31 : f32 to vector<1x1024xf32>
    %add3A_33 = arith.addf %get3A_30, %add3A_32 : vector<1x1024xf32>
    %reduce_max3A = vector.shape_cast %add3A_33 : vector<1x1024xf32> to vector<1x1x1024xf32>
    %reduce_max3A_34 = arith.constant dense<0xFF800000> : vector<1xf32>
    %reduce_max3A_35 = vector.multi_reduction <maximumf>, %reduce_max3A, %reduce_max3A_34 [1, 2] : vector<1x1x1024xf32> to vector<1xf32>
    %reduce_max3A_36 = vector.shape_cast %reduce_max3A_35 : vector<1xf32> to vector<1x1x1xf32>
    %reduce_max3A_37 = vector.extract %reduce_max3A_36[0, 0, 0] : f32 from vector<1x1x1xf32>
    %sub3A = vector.broadcast %reduce_max3A_37 : f32 to vector<1x1024xf32>
    %sub3A_38 = arith.subf %add3A_33, %sub3A : vector<1x1024xf32>
    %exp3A = math.exp %sub3A_38 : vector<1x1024xf32>
    %reduce_sum3A_39 = vector.shape_cast %exp3A : vector<1x1024xf32> to vector<1x1x1024xf32>
    %reduce_sum3A_40 = arith.constant dense<0.000000e+00> : vector<1xf32>
    %reduce_sum3A_41 = vector.multi_reduction <add>, %reduce_sum3A_39, %reduce_sum3A_40 [1, 2] : vector<1x1x1024xf32> to vector<1xf32>
    %reduce_sum3A_42 = vector.shape_cast %reduce_sum3A_41 : vector<1xf32> to vector<1x1x1xf32>
    %reduce_sum3A_43 = vector.extract %reduce_sum3A_42[0, 0, 0] : f32 from vector<1x1x1xf32>
    %div3A = arith.constant 1.000000e+00 : f32
    %div3A_44 = arith.divf %div3A, %reduce_sum3A_43 : f32
    %mul3A_45 = vector.broadcast %div3A_44 : f32 to vector<1x1024xf32>
    %mul3A_46 = arith.mulf %exp3A, %mul3A_45 : vector<1x1024xf32>
    %swap3A = arith.constant 0 : index
    %swap3A_47 = arith.constant 0 : index
    %swap3A_48 = vector.load %arg5[%swap3A, %swap3A_47] : memref<1x1024xf32, #tpu.memory_space<vmem>>, vector<1x1024xf32>
    tpu.vector_store %arg5[%swap3A, %swap3A_47], %mul3A_46 {strides = array<i32>} : memref<1x1024xf32, #tpu.memory_space<vmem>>, vector<1x1024xf32>,
    return
  }
}

</mosaic_0001>

<sc_bundles>
// kernel: kernel.5.cloned.1.call-start
scs
__scs_entry_jumppad:
0x0: {  	(pc) =	sbr.rel $0x88, $3  }
0x1: {  	(tag) =	ssettag $0x0;
	lr =	simm.s32 $0x1  }
0x2: {  	[smem:$0x3F9C] =	sst lr;
	_ =	strace $0xD0000000  }
0x3: {  	_ = 	snop  }
0x4: {  	_ = 	snop  }
0x5: {  	_ = 	snop  }
0x6: {  	_ = 	snop  }
0x7: {  	_ = 	snop  }
__scs_overlays_trampoline_lowered:
0x8: {  	[smem:$0x3FAB] =	sst s0  }
0x9: {  	[smem:$0x3FAC] =	sst s1  }
0xa: {  	[smem:$0x3FAD] =	sst s2  }
0xb: {  	[smem:$0x3FAE] =	sst s3  }
0xc: {  	[smem:$0x3FAF] =	sst s4  }
0xd: {  	[smem:$0x3FB0] =	sst s5  }
0xe: {  	[smem:$0x3FB1] =	sst s6  }
0xf: {  	[smem:$0x3FB2] =	sst s7  }
0x10: {  	[smem:$0x3FB3] =	sst s8  }
0x11: {  	[smem:$0x3FB4] =	sst s9;
	s0 =	simm.s32 @!p0 $0x0  }
0x12: {  	s1 =	sld [smem:$0x3F9A];
	s0 =	simm.s32 @p0 $0x1  }
0x13: {  	[smem:$0x3FB5] =	sst s0;
	s0 =	simm.s32 @!p1 $0x0  }
0x14: {  	s2 =	sld [smem:$0x3F99];
	s0 =	simm.s32 @p1 $0x1  }
0x15: {  	[smem:$0x3FB6] =	sst s0;
	s0 =	simm.s32 @!p2 $0x0  }
0x16: {  	s3 =	sld [smem:$0x3FDB];
	s0 =	simm.s32 @p2 $0x1  }
0x17: {  	s4 =	simm.s32 $0x1BF5;
	[smem:$0x3FB8] =	sst s0  }
0x18: {  	s0 =	sld [smem:$0x3F9B];
	_ =	swait.ge [sflag:s4], $0x0  }
0x19: {  	s7 =	sld [smem:$0x3F9C]  }
0x1a: {  	s8 =	sadd.s32 $0xFFFFE003, lr  }
0x1b: {  	s9 =	sadd.s32 $0xFFFFFEF7, lr;
	s5 =	simm.s32 $0xFFFFFFFF;
	p2 =	slt.u32 s8, $0xFFFFF086  }
0x1c: {  	p1 =	slt.u32 s9, $0xF7A;
	s5 =	simm.s32 @!p2 $0x0  }
0x1d: {  	s5 =	simm.s32 @p1 $0x1;
	p0 =	seq.s32 s7, s2  }
0x1e: {  	s7 =	smul.u32 @!p0 $0xF7A, s2;
	p2 =	seq.s32 @!p0 s5, $0x0  }
0x1f: {  	s9 =	smul.u32 $0xF7A, s1;
	s8 =	simm.s32 @!p0 $0x1BF5;
	p2 =	por !p2, p0  }
0x20: {  	[sflag:s8] =	ssyncset.s32 @!p0 $0xFFFFF086;
	s6 =	sadd.s32 @!p0 s3, s7;
	s7 =	simm.s32 @!p0 $0x108  }
0x21: {  	s3 =	sadd.s32 s3, s9;
	s6 =	sadd.s32 @!p0 $0x88, s6;
	s7 =	simm.s32 @p2 $0x1082  }
0x22: {  	[simem:s7], [sflag:s8] =	dma.local @!p0 [hbm:s6], $0xF7A  }
0x23: {  	s9 =	sor.u32 $0xD0000000, s2;
	s6 =	simm.s32 $0x108;
	_ =	swait.ge @!p0 [sflag:s8], $0x0  }
0x24: {  	s3 =	sadd.s32 $0x88, s3;
	s6 =	simm.s32 @!p1 $0x1082;
	[sflag:s4] =	ssyncset.s32 $0xFFFFF086  }
0x25: {  	[simem:s6], [sflag:s4] =	dma.local [hbm:s3], $0xF7A  }
0x26: {  	[smem:$0x3F9C] =	sst s1;
	(tag) =	ssettag s2;
	_ =	strace s9  }
0x27: {  	s1 =	sld [smem:$0x3FAC]  }
0x28: {  	s2 =	sld [smem:$0x3FAD]  }
0x29: {  	s4 =	sld [smem:$0x3FAF]  }
0x2a: {  	p0 =	seq.s32 s5, $0x0;
	s5 =	sld [smem:$0x3FB0]  }
0x2b: {  	s6 =	sld [smem:$0x3FB1]  }
0x2c: {  	s7 =	sld [smem:$0x3FB2]  }
0x2d: {  	s3 =	simm.s32 $0x108;
	s8 =	sld [smem:$0x3FB3]  }
0x2e: {  	s3 =	simm.s32 @!p0 $0x1082;
	s9 =	sld [smem:$0x3FB4]  }
0x2f: {  	lr =	sadd.s32 s0, s3;
	s0 =	sld [smem:$0x3FAB]  }
0x30: {  	s3 =	sld [smem:$0x3FAE]  }
0x31: {  	[smem:$0x3FB7] =	sst s10  }
0x32: {  	s10 =	sld [smem:$0x3FB5];
	_ =	sdelay $0x3  }
0x33: {  	p0 =	seq.s32 s10, $0x1;
	s10 =	sld [smem:$0x3FB7];
	_ =	sdelay $0x3  }
0x34: {  	[smem:$0x3FB7] =	sst s10  }
0x35: {  	s10 =	sld [smem:$0x3FB6];
	_ =	sdelay $0x3  }
0x36: {  	p1 =	seq.s32 s10, $0x1;
	s10 =	sld [smem:$0x3FB7];
	_ =	sdelay $0x3  }
0x37: {  	[smem:$0x3FB7] =	sst s10  }
0x38: {  	s10 =	sld [smem:$0x3FB8]  }
0x39: {  	_ = 	snop;
	(pc) =	sbr.ind lr, $3  }
0x3a: {  	_ = 	snop  }
0x3b: {  	_ = 	snop  }
0x3c: {  	p2 =	seq.s32 s10, $0x1;
	s10 =	sld [smem:$0x3FB7]  }
0x3d: {  	_ =	shalt  }
0x3e: {  	_ =	shalt  }
0x3f: {  	_ =	shalt  }
0x40: {  	_ =	shalt  }
0x41: {  	_ =	shalt  }
0x42: {  	_ =	shalt  }
0x43: {  	_ =	shalt  }
0x44: {  	_ =	shalt  }
0x45: {  	_ =	shalt  }
0x46: {  	_ =	shalt  }
0x47: {  	_ =	shalt  }
0x48: {  	_ =	shalt  }
0x49: {  	_ =	shalt  }
0x4a: {  	_ =	shalt  }
0x4b: {  	_ =	shalt  }
0x4c: {  	_ =	shalt  }
0x4d: {  	_ =	shalt  }
0x4e: {  	_ =	shalt  }
0x4f: {  	_ =	shalt  }
0x50: {  	_ =	shalt  }
0x51: {  	_ =	shalt  }
0x52: {  	_ =	shalt  }
0x53: {  	_ =	shalt  }
0x54: {  	_ =	shalt  }
0x55: {  	_ =	shalt  }
0x56: {  	_ =	shalt  }
0x57: {  	_ =	shalt  }
0x58: {  	_ =	shalt  }
0x59: {  	_ =	shalt  }
0x5a: {  	_ =	shalt  }
0x5b: {  	_ =	shalt  }
0x5c: {  	_ =	shalt  }
0x5d: {  	_ =	shalt  }
0x5e: {  	_ =	shalt  }
0x5f: {  	_ =	shalt  }
0x60: {  	_ =	shalt  }
0x61: {  	_ =	shalt  }
0x62: {  	_ =	shalt  }
0x63: {  	_ =	shalt  }
0x64: {  	_ =	shalt  }
0x65: {  	_ =	shalt  }
0x66: {  	_ =	shalt  }
0x67: {  	_ =	shalt  }
0x68: {  	_ =	shalt  }
0x69: {  	_ =	shalt  }
0x6a: {  	_ =	shalt  }
0x6b: {  	_ =	shalt  }
0x6c: {  	_ =	shalt  }
0x6d: {  	_ =	shalt  }
0x6e: {  	_ =	shalt  }
0x6f: {  	_ =	shalt  }
0x70: {  	_ =	shalt  }
0x71: {  	_ =	shalt  }
0x72: {  	_ =	shalt  }
0x73: {  	_ =	shalt  }
0x74: {  	_ =	shalt  }
0x75: {  	_ =	shalt  }
0x76: {  	_ =	shalt  }
0x77: {  	_ =	shalt  }
0x78: {  	_ =	shalt  }
0x79: {  	_ =	shalt  }
0x7a: {  	_ =	shalt  }
0x7b: {  	_ =	shalt  }
0x7c: {  	_ =	shalt  }
0x7d: {  	_ =	shalt  }
0x7e: {  	_ =	shalt  }
0x7f: {  	_ =	shalt  }
0x80: {  	_ =	shalt  }
0x81: {  	_ =	shalt  }
0x82: {  	_ =	shalt  }
0x83: {  	_ =	shalt  }
0x84: {  	_ =	shalt  }
0x85: {  	_ =	shalt  }
0x86: {  	_ =	shalt  }
0x87: {  	_ =	shalt  }
.Lfunc_end0:
.L_simem_size_0:
called_computation_lowered:
.L_overlay_start_0:
0x88: {  	s2 =	sld [smem:$0x3FD9]  }
0x89: {  	s3 =	sld [smem:$0x3FFE];
	_ =	sdelay $0x1  }
0x8a: {  	s1 =	srdreg.scid  }
0x8b: {  	s0 =	sand.u32 $0x1, s1  }
0x8c: {  	s17 =	sshll.u32 s0, $0xA;
	s2 =	sadd.s32 s3, s2  }
0x8d: {  	s2 =	sadd.s32 s2, s17  }
0x8e: {  	[smem:$0x3FC3] =	sst s2  }
0x8f: {  	_ = 	snop  }
0x90: {  	s2 =	sld [smem:$0x3FC9]  }
0x91: {  	s18 =	sld [smem:$0x3FC7];
	(tm) =	ssettm $0x1  }
0x92: {  	s4 =	sld [smem:$0x3FFB];
	_ =	sdelay $0x3  }
0x93: {  	_ =	strace s4  }
0x94: {  	s4 =	sld [smem:$0x3FFC];
	_ =	sdelay $0x3  }
0x95: {  	_ =	strace s4  }
0x96: {  	s4 =	sld [smem:$0x3FFD];
	_ =	sdelay $0x3  }
0x97: {  	_ =	strace s4  }
0x98: {  	_ =	strace $0x8FFFFFFF  }
0x99: {  	s19 =	sld [smem:$0x3FDB];
	_ =	sdelay $0x1  }
0x9a: {  	s5 =	simm.s32 $_scs_section_size  }
0x9b: {  	s6 =	simm.s32 $_size__tile_overlayer_lowered;
	s7 =	simm.s32 $_tile_overlayer_lowered  }
0x9c: {  	s22 =	simm.s32 $0x1BFF;
	s21 =	sshll.u32 s7, $0x1;
	s4 =	sadd.s32 s5, s19  }
0x9d: {  	s8 =	simm.s32 $0x0;
	s20 =	sshll.u32 s6, $0x1;
	s6 =	sadd.s32 s21, s4  }
0x9e: {  	[timem:s8], [sflag:s22] =	dma.local [hbm:s6], s20  }
0x9f: {  	_ =	swait.ge [sflag:s22], s20  }
0xa0: {  	s5 =	ssub.s32 $0x0, s20;
	[sflag:s22] =	ssyncset.done $0x0  }
0xa1: {  	[sflag:s22] =	ssyncadd.s32 s5;
	_ =	sdelay $0x1  }
0xa2: {  	s23 =	simm.s32 $0x1B8B  }
0xa3: {  	_ =	swait.ge [sflag:s23], $0x1  }
0xa4: {  	[sflag:s23] =	ssyncset.done $0x0  }
0xa5: {  	s25 =	simm.s32 $0x1B8E;
	s24 =	sld [smem:$0x3FFE];
	[sflag:s23] =	ssyncadd.s32 $0xFFFFFFFF  }
0xa6: {  	s26 =	simm.s32 $execute0_lowered;
	[smem:$0x3FD2] =	sst s25  }
0xa7: {  	s6 =	sshll.u32 s26, $0x1;
	_ =	strace $0x80000046;
	[dreg:$0x1] =	wrdreg $0xFFFFFFFF  }
0xa8: {  	s28 =	simm.s32 $_size_execute0_lowered;
	s4 =	sadd.s32 s4, s6;
	[dreg:$0x0] =	wrdreg $0x0  }
0xa9: {  	s6 =	sshll.u32 s28, $0x1;
	[dreg:$0x2] =	wrdreg s4  }
0xaa: {  	[dreg:$0x3] =	wrdreg s6  }
0xab: {  	[dreg:$0x4] =	wrdreg $0xC0  }
0xac: {  	_ =	task [dreg:s8], $0x5FFFF  }
0xad: {  	[dreg:$0x1] =	wrdreg $0xFFFFFFFF  }
0xae: {  	[dreg:$0x0] =	wrdreg $0x60  }
0xaf: {  	[dreg:$0x2] =	wrdreg s2  }
0xb0: {  	[dreg:$0x3] =	wrdreg s18  }
0xb1: {  	[dreg:$0x4] =	wrdreg s24  }
0xb2: {  	[dreg:$0x5] =	wrdreg $0x9  }
0xb3: {  	_ =	task.clear_ibuf [dreg:s8], $0x6FFFF;
	_ =	strace $0x90000046  }
0xb4: {  	s29 =	simm.s32 $0x9;
	_ =	strace $0x80000048  }
0xb5: {  	_ =	swait.ge [sflag:s29], $0x1  }
0xb6: {  	[sflag:s29] =	ssyncadd.s32 $0xFFFFFFFF  }
0xb7: {  	_ =	strace $0x90000048  }
0xb8: {  	_ =	sfence  }
0xb9: {  	s30 =	sld [smem:$0x0];
	_ =	sdelay $0x2  }
0xba: {  	s31 =	sshll.u32 s1, $0xD;
	s1 =	sshrl.u32 s1, $0x2  }
0xbb: {  	s3 =	sand.u32 $0x4000, s31;
	s1 =	sadd.s32 s1, s30  }
0xbc: {  	s0 =	sor.u32 s3, s0;
	s1 =	sshll.u32 s1, $0x11  }
0xbd: {  	s0 =	sor.u32 s1, s0  }
0xbe: {  	s0 =	sadd.s32 $0x8F2B, s0  }
0xbf: {  	[sflag:s0] =	ssyncadd.remote.s32 $0x1  }
0xc0: {  	_ =	sfence.sel $0xFFFF  }
0xc1: {  	[dreg:$0x0] =	wrdreg $0xFFFFFFFF;
	(pc) =	sbr.abs _section_cstart, $3  }
0xc2: {  	[dreg:$0x1] =	wrdreg $0xFFFFFFFF  }
0xc3: {  	_ =	task.clear_ibuf [dreg:s8], $0x2FFFF;
	_ =	strace $0x9FFFFFFF  }
0xc4: {  	(tm) =	ssettm $0x7FFFFFFF  }
0xc5: {  	_ =	shalt  }
tec
execute0_lowered:
.L_overlay_start_1:
0x0: {  	(tag) =	ssettag $0x1  }
0x1: {  	s4 =	rddreg [dreg:$0x0]  }
0x2: {  	s2 =	rddreg [dreg:$0x1];
	s1 =	srdreg.scid  }
0x3: {  	s0 =	stileid.u32;
	s5 =	rddreg [dreg:$0x2];
	s3 =	simm.s32 $0x0  }
0x4: {  	s11 =	simm.s32 $0x10180;
	s6 =	sand.u32 $0x1, s1;
	s1 =	rddreg [dreg:$0x3]  }
0x5: {  	s12 =	simm.s32 $0x0;
	s7 =	sshll.u32 s0, $0x1;
	[smem:$0x7FF] =	sst s3  }
0x6: {  	s7 =	sor.u32 s6, s7;
	_ =	strace $0x80000047;
	s6 =	ssub.s32 $0x2, s6  }
0x7: {  	vm0 =	vmmov $0x1;
	vm6 =	vmxor vm6, vm6;
	v0 =	vlaneseq.u32;
	s8 =	sshll.u32 s7, $0x3;
	s9 =	sshll.u32 s7, $0x4;
	s10 =	sshrl.u32 s6, $0x1  }
0x8: {  	vm7 =	vcmask $0xB10;
	vm8 =	vcmask $0xF0C;
	vm9 =	vcmask $0xF14;
	p0 =	slt.u32 s7, $0x19;
	s8 =	smin.u32 s8, $0xC0;
	s5 =	sadd.s32 s9, s5  }
0x9: {  	vm10 =	vcmask $0x1310;
	vm11 =	vcmask $0x1318;
	vm12 =	vcmask $0x1714;
	s6 =	ssub.s32 s6, s10;
	s7 =	simm.s32 @!p0 $0x0;
	s9 =	simm.s32 $0x10100  }
0xa: {  	vm13 =	vcmask $0x171C;
	vm14 =	vcmask $0x1B18;
	v1 =	vmul.u32 $0x80, v0;
	s10 =	simm.s32 $0x80;
	s8 =	sshrl.u32 s8, $0x3;
	s5 =	sadd.s32 $0xC00, s5  }
0xb: {  	vm15 =	vcmask $0x1B20;
	v2 =	vimm.s32 $0x0;
	vm1 =	vcmask $0x1F1C;
	s6 =	smax.u32 s6, $0x1;
	s7 =	simm.s32 @p0 $0x1;
	s4 =	sadd.s32 s4, s8  }
0xc: {  	v3 =	vor.u32 $0x800, v1;
	v4 =	vor.u32 $0x1000, v1;
	v5 =	vor.u32 $0x1800, v1;
	[smem:$0x7FD] =	sst s7;
	s7 =	simm.s32 $0x2;
	s8 =	simm.s32 $0x10080  }
.LBB2_1:
0xd: {  	[tilespmem:s3], [sflag:$0x2] =	stream.linear.gather [hbm4b:s4+s3], $0x8, $0x38;
	[tilespmem:$0x10200] =	vst v63  }
0xe: {  	_ =	swait.ge [sflag:s7], $0x8  }
0xf: {  	[sflag:s7] =	ssyncset.done $0x0  }
0x10: {  	[sflag:s7] =	ssyncadd.s32 $0xFFFFFFF8  }
0x11: {  	v6 =	vld [tilespmem:$0x0];
	_ =	sdelay $0x4  }
0x12: {  	vm3 =	vgt.s32 v6, $0x0  }
0x13: {  	v6 =	vnsel vm3, $0x0, v6  }
0x14: {  	v6 =	vmin.u32 v6, $0xF423F  }
0x15: {  	v7 =	vnsel vm0, $0x0, v6  }
0x16: {  	(xrf0) =	vadd.scan.msk.s32 $0xffff, v7;
	_ =	sdelay $0x5  }
0x17: {  	v7, _, _ =	vpop (xrf0)  }
0x18: {  	vm2 =	vcmask $0x308;
	(v2sf) =	vpush v7, $0xF  }
0x19: {  	v7 =	vsel vm2, $0x0, v6  }
0x1a: {  	(xrf0) =	vadd.scan.msk.s32 $0xffff, v7;
	_ =	sdelay $0x1  }
0x1b: {  	vm2 =	vcmask $0x70C  }
0x1c: {  	v7 =	vsel vm2, $0x0, v6;
	_ =	sdelay $0x2  }
0x1d: {  	(xrf0) =	vadd.scan.msk.s32 $0xffff, v7;
	v7, _, _ =	vpop (xrf0)  }
0x1e: {  	(v2sf) =	vpush v7, $0xF;
	_ =	sdelay $0x3  }
0x1f: {  	s14 =	sld [smem:$0x7FD];
	_ =	sdelay $0x1  }
0x20: {  	v7, _, _ =	vpop (xrf0);
	s13 =	spop (v2sf)  }
0x21: {  	p1 =	seq.s32 s14, $0x1;
	(v2sf) =	vpush v7, $0xF;
	v7 =	vsel vm7, $0x0, v6;
	p0 =	slt.s32 s13, $0xF4200  }
0x22: {  	(xrf0) =	vadd.scan.msk.s32 $0xffff, v7;
	p0 =	por !p1, !p0  }
0x23: {  	p0 =	por !p0, !p0  }
0x24: {  	s14 =	simm.s32 @!p0 $0x0  }
0x25: {  	v7 =	vsel vm9, $0x0, v6;
	s14 =	simm.s32 @p0 $0x1  }
0x26: {  	s15 =	simm.s32 @p0 $0x400;
	[smem:$0x7FB] =	sst s14;
	s14 =	sand.u32 @p0 $0xFFFFF80, s13  }
0x27: {  	(xrf0) =	vadd.scan.msk.s32 $0xffff, v7;
	s16 =	simm.s32 @p0 $0x7A1400;
	s17 =	simm.s32 @p0 $0x80;
	s14 =	sadd.s32 @p0 s2, s14  }
0x28: {  	v7, _, _ =	vpop (xrf0);
	[tilespmem:s17], [sflag:$0x1] =	stream.strided.gather @p0 [hbm4b:s14+s15], $0x2000, s16, s15, $0x38;
	[tilespmem:$0x10200] =	vst v63  }
0x29: {  	(v2sf) =	vpush v7, $0xF;
	s14 =	spop (v2sf)  }
0x2a: {  	p2 =	slt.s32 s14, $0xF4200  }
0x2b: {  	p0 =	por !p1, !p2  }
0x2c: {  	p0 =	por !p0, !p0  }
0x2d: {  	s15 =	simm.s32 @!p0 $0x0  }
0x2e: {  	v7, _, _ =	vpop (xrf0);
	s18 =	simm.s32 @p0 $0x7A1400;
	s15 =	simm.s32 @p0 $0x1  }
0x2f: {  	(v2sf) =	vpush v7, $0xF;
	v7 =	vsel vm11, $0x0, v6;
	s17 =	simm.s32 @p0 $0x400;
	[smem:$0x7FC] =	sst s15;
	s15 =	sand.u32 @p0 $0xFFFFF80, s14  }
0x30: {  	(xrf0) =	vadd.scan.msk.s32 $0xffff, v7;
	s19 =	simm.s32 @p0 $0x2080;
	s16 =	sadd.s32 @p0 s2, s15;
	s15 =	spop (v2sf)  }
0x31: {  	[tilespmem:s19], [sflag:$0x1] =	stream.strided.gather @p0 [hbm4b:s16+s17], $0x2000, s18, s17, $0x38;
	[tilespmem:$0x10200] =	vst v63  }
0x32: {  	p3 =	slt.s32 s15, $0xF4200  }
0x33: {  	p0 =	por !p1, !p3  }
0x34: {  	v7 =	vsel vm13, $0x0, v6;
	p3 =	por !p0, !p0  }
0x35: {  	s16 =	sand.u32 @p3 $0xFFFFF80, s15;
	s17 =	simm.s32 @p3 $0x400  }
0x36: {  	(xrf0) =	vadd.scan.msk.s32 $0xffff, v7;
	s18 =	simm.s32 @p3 $0x7A1400;
	s19 =	simm.s32 @p3 $0x4080;
	s16 =	sadd.s32 @p3 s2, s16  }
0x37: {  	v7, _, _ =	vpop (xrf0);
	[tilespmem:s19], [sflag:$0x1] =	stream.strided.gather @p3 [hbm4b:s16+s17], $0x2000, s18, s17, $0x38;
	[tilespmem:$0x10200] =	vst v63  }
0x38: {  	s16 =	spop (v2sf);
	(v2sf) =	vpush v7, $0xF;
	_ =	sdelay $0x1  }
0x39: {  	p4 =	slt.s32 s16, $0xF4200  }
0x3a: {  	p0 =	por !p1, !p4  }
0x3b: {  	p4 =	por !p0, !p0  }
0x3c: {  	v7, _, _ =	vpop (xrf0);
	s17 =	sand.u32 @p4 $0xFFFFF80, s16  }
0x3d: {  	s18 =	sadd.s32 @p4 s2, s17;
	s17 =	spop (v2sf);
	(v2sf) =	vpush v7, $0xF  }
0x3e: {  	s19 =	simm.s32 @p4 $0x400;
	s20 =	simm.s32 @p4 $0x7A1400;
	s21 =	simm.s32 @p4 $0x6080  }
0x3f: {  	[tilespmem:s21], [sflag:$0x1] =	stream.strided.gather @p4 [hbm4b:s18+s19], $0x2000, s20, s19, $0x38;
	[tilespmem:$0x10200] =	vst v63  }
0x40: {  	p5 =	slt.s32 s17, $0xF4200  }
0x41: {  	p0 =	por !p1, !p5  }
0x42: {  	p5 =	por !p0, !p0  }
0x43: {  	v6 =	vsel vm15, $0x0, v6;
	s18 =	sand.u32 @p5 $0xFFFFF80, s17;
	s19 =	simm.s32 @p5 $0x400  }
0x44: {  	(xrf0) =	vadd.scan.msk.s32 $0xffff, v6;
	s20 =	simm.s32 @p5 $0x7A1400;
	s21 =	simm.s32 @p5 $0x8080;
	s18 =	sadd.s32 @p5 s2, s18  }
0x45: {  	[tilespmem:s21], [sflag:$0x1] =	stream.strided.gather @p5 [hbm4b:s18+s19], $0x2000, s20, s19, $0x38;
	[tilespmem:$0x10200] =	vst v63  }
0x46: {  	s19 =	spop (v2sf)  }
0x47: {  	p6 =	slt.s32 s19, $0xF4200  }
0x48: {  	p0 =	por !p1, !p6  }
0x49: {  	p6 =	por !p0, !p0  }
0x4a: {  	v6, _, _ =	vpop (xrf0);
	s20 =	sand.u32 @p6 $0xFFFFF80, s19  }
0x4b: {  	s30 =	sld [smem:$0x7FB];
	(v2sf) =	vpush v6, $0xF;
	s21 =	simm.s32 @p6 $0x400;
	s22 =	simm.s32 @p6 $0x7A1400  }
0x4c: {  	s23 =	simm.s32 @p6 $0xA080;
	s18 =	spop (v2sf);
	s20 =	sadd.s32 @p6 s2, s20  }
0x4d: {  	[tilespmem:s23], [sflag:$0x1] =	stream.strided.gather @p6 [hbm4b:s20+s21], $0x2000, s22, s21, $0x38;
	[tilespmem:$0x10200] =	vst v63  }
0x4e: {  	s31 =	sld [smem:$0x7FC];
	p2 =	slt.s32 s18, $0xF4200  }
0x4f: {  	vm4 =	vcmask $0x300;
	s13 =	sand.u32 $0x7F, s13;
	p0 =	por !p1, !p2  }
0x50: {  	vm5 =	veq.s32 v0, $0x1;
	vm3 =	vmmov vm6;
	s14 =	sand.u32 $0x7F, s14;
	v6 =	vmov s13;
	p2 =	por !p0, !p0;
	p0 =	seq.s32 s30, $0x1  }
0x51: {  	vm2 =	vmmov vm6;
	v6 =	vnsel vm4, $0x0, v6;
	s20 =	sand.u32 @p2 $0xFFFFF80, s18;
	s21 =	simm.s32 @p2 $0x400;
	vm3 =	vmneg @p0 vm3;
	p0 =	seq.s32 s31, $0x1  }
0x52: {  	vm4 =	vcmask $0x704;
	v6 =	vsel vm5, s14, v6;
	s22 =	simm.s32 @p2 $0x7A1400;
	s23 =	simm.s32 @p2 $0xC080;
	s20 =	sadd.s32 @p2 s2, s20;
	vm2 =	vmneg @p0 vm2  }
0x53: {  	vm5 =	vmmov vm6;
	vm3 =	vmand vm3, vm0;
	[tilespmem:s23], [sflag:$0x1] =	stream.strided.gather @p2 [hbm4b:s20+s21], $0x2000, s22, s21, $0x38;
	vm2 =	vmand vm2, vm4;
	[tilespmem:$0x10200] =	vst v63  }
0x54: {  	vm4 =	vmmov vm6;
	s20 =	sand.u32 $0x7F, s15;
	vm2 =	vmor vm2, vm3;
	vm3 =	veq.s32 v0, $0x2  }
0x55: {  	vm4 =	vmneg @p3 vm4;
	v6 =	vsel vm3, s20, v6;
	vm3 =	vcmask $0xB08  }
0x56: {  	vm5 =	vmneg @p4 vm5;
	vm3 =	vmand vm4, vm3  }
0x57: {  	s21 =	sand.u32 $0x7F, s16;
	vm4 =	vmmov vm6;
	vm2 =	vmor vm3, vm2;
	vm3 =	veq.s32 v0, $0x3  }
0x58: {  	vm5 =	vmand vm5, vm8;
	vm4 =	vmneg @p5 vm4;
	v6 =	vsel vm3, s21, v6  }
0x59: {  	s22 =	sand.u32 $0x7F, s17;
	vm2 =	vmor vm5, vm2;
	vm3 =	veq.s32 v0, $0x4;
	vm4 =	vmand vm4, vm10  }
0x5a: {  	s13 =	spop (v2sf);
	vm5 =	vmmov vm6;
	v6 =	vsel vm3, s22, v6;
	vm2 =	vmor vm4, vm2  }
0x5b: {  	s23 =	sand.u32 $0x7F, s19;
	p0 =	slt.s32 s13, $0xF4200;
	vm3 =	veq.s32 v0, $0x5;
	vm5 =	vmneg @p6 vm5;
	vm4 =	vmmov vm6  }
0x5c: {  	p0 =	por !p1, !p0;
	v6 =	vsel vm3, s23, v6;
	vm3 =	vmand vm5, vm12;
	vm4 =	vmneg @p2 vm4  }
0x5d: {  	s25 =	sld [smem:$0x7FB];
	s24 =	sand.u32 $0x7F, s18;
	p1 =	por !p0, !p0;
	vm5 =	vmmov vm6;
	vm2 =	vmor vm3, vm2;
	vm3 =	veq.s32 v0, $0x6  }
0x5e: {  	s14 =	sand.u32 @p1 $0xFFFFF80, s13;
	vm4 =	vmand vm4, vm14;
	s13 =	sand.u32 $0x7F, s13;
	vm5 =	vmneg @p1 vm5;
	s15 =	simm.s32 @p1 $0x400;
	v6 =	vsel vm3, s24, v6  }
0x5f: {  	s16 =	simm.s32 @p1 $0x7A1400;
	s17 =	simm.s32 @p1 $0xE080;
	s14 =	sadd.s32 @p1 s2, s14;
	vm2 =	vmor vm4, vm2;
	vm3 =	veq.s32 v0, $0x7;
	vm4 =	vmand vm5, vm1  }
0x60: {  	v6 =	vsel vm3, s13, v6;
	vm2 =	vmor vm4, vm2;
	[tilespmem:s17], [sflag:$0x1] =	stream.strided.gather @p1 [hbm4b:s14+s15], $0x2000, s16, s15, $0x38;
	[tilespmem:$0x10200] =	vst v63  }
0x61: {  	p0 =	seq.s32 s25, $0x1;
	v7 =	vsel vm2, $0x1, v2;
	[tilespmem:$0x10080] =	vst v6  }
0x62: {  	s13 =	simm.s32 @p0 $0x1;
	[tilespmem:$0x10100] =	vst v7  }
0x63: {  	_ =	swait.ge @p0 [sflag:s13], $0x2000  }
0x64: {  	s26 =	sld [smem:$0x7FC];
	_ =	sdelay $0x1  }
0x65: {  	[sflag:s13] =	ssyncset.done @p0 $0x0  }
0x66: {  	[sflag:s13] =	ssyncadd.s32 @p0 $0xFFFFE000;
	p0 =	seq.s32 s26, $0x1  }
0x67: {  	s13 =	simm.s32 @p0 $0x1  }
0x68: {  	_ =	swait.ge @p0 [sflag:s13], $0x2000  }
0x69: {  	[sflag:s13] =	ssyncset.done @p0 $0x0  }
0x6a: {  	[sflag:s13] =	ssyncadd.s32 @p0 $0xFFFFE000;
	s13 =	simm.s32 @p3 $0x1  }
0x6b: {  	_ =	swait.ge @p3 [sflag:s13], $0x2000  }
0x6c: {  	[sflag:s13] =	ssyncset.done @p3 $0x0  }
0x6d: {  	[sflag:s13] =	ssyncadd.s32 @p3 $0xFFFFE000;
	s13 =	simm.s32 @p4 $0x1  }
0x6e: {  	_ =	swait.ge @p4 [sflag:s13], $0x2000  }
0x6f: {  	[sflag:s13] =	ssyncset.done @p4 $0x0  }
0x70: {  	[sflag:s13] =	ssyncadd.s32 @p4 $0xFFFFE000;
	s13 =	simm.s32 @p5 $0x1  }
0x71: {  	_ =	swait.ge @p5 [sflag:s13], $0x2000  }
0x72: {  	[sflag:s13] =	ssyncset.done @p5 $0x0  }
0x73: {  	[sflag:s13] =	ssyncadd.s32 @p5 $0xFFFFE000;
	s13 =	simm.s32 @p6 $0x1  }
0x74: {  	_ =	swait.ge @p6 [sflag:s13], $0x2000  }
0x75: {  	[sflag:s13] =	ssyncset.done @p6 $0x0  }
0x76: {  	[sflag:s13] =	ssyncadd.s32 @p6 $0xFFFFE000;
	s13 =	simm.s32 @p2 $0x1  }
0x77: {  	_ =	swait.ge @p2 [sflag:s13], $0x2000  }
0x78: {  	v6 =	vmov s3;
	[sflag:s13] =	ssyncset.done @p2 $0x0  }
0x79: {  	[sflag:s13] =	ssyncadd.s32 @p2 $0xFFFFE000;
	s13 =	simm.s32 @p1 $0x1  }
0x7a: {  	_ =	swait.ge @p1 [sflag:s13], $0x2000  }
0x7b: {  	[sflag:s13] =	ssyncset.done @p1 $0x0  }
0x7c: {  	s28 =	simm.s32 $0x1;
	[sflag:s13] =	ssyncadd.s32 @p1 $0xFFFFE000  }
0x7d: {  	v10 =	vmov s28;
	v7 =	vld.idx.msk [tilespmem:v6+s8+$0x0], $0xffff;
	_ =	sdelay $0x4  }
0x7e: {  	s29 =	simm.s32 $0x2;
	v9 =	vshll.u32 v6, $0xD;
	v11 =	vld.idx.msk [tilespmem:v10+s8+$0x0], $0xffff;
	v8 =	vand.u32 $0xFFFFFF80, v7  }
0x7f: {  	v12 =	vand.u32 $0x7F, v7;
	v7 =	vmov s29;
	v8 =	vadd.s32 v9, v8  }
0x80: {  	v8 =	vor.u32 v12, v8  }
0x81: {  	v9 =	vadd.s32 v5, v8  }
0x82: {  	v12 =	vadd.s32 v1, v8  }
0x83: {  	v15 =	vshll.u32 v10, $0xD;
	v14 =	vld.idx.msk [tilespmem:v6+s9+$0x0], $0xffff;
	v6 =	vand.u32 $0xFFFFFF80, v11;
	v13 =	vadd.s32 v3, v8  }
0x84: {  	s30 =	simm.s32 $0x3;
	v11 =	vand.u32 $0x7F, v11;
	v15 =	vadd.s32 v15, v6;
	v8 =	vadd.s32 v4, v8;
	v16 =	vld.idx.msk [tilespmem:v7+s8+$0x0], $0xffff  }
0x85: {  	v10 =	vld.idx.msk [tilespmem:v10+s9+$0x0], $0xffff;
	v6 =	vmov s30;
	v11 =	vor.u32 v11, v15  }
0x86: {  	v19 =	vadd.s32 v1, v11;
	v18 =	vld.idx.msk [tilespmem:v9+s10+$0x0], $0xffff  }
0x87: {  	v15 =	vld.idx.msk [tilespmem:v12+s10+$0x0], $0xffff;
	v12 =	vadd.s32 v5, v11  }
0x88: {  	vm3 =	vgt.s32 v14, $0x0;
	v26 =	vadd.s32 v3, v11;
	v17 =	vadd.s32 v4, v11;
	v21 =	vld.idx.msk [tilespmem:v13+s10+$0x0], $0xffff  }
0x89: {  	s31 =	simm.s32 $0x4;
	v9 =	vimm.f32 $0.0e+00;
	v8 =	vld.idx.msk [tilespmem:v8+s10+$0x0], $0xffff;
	v13 =	vshll.u32 v7, $0xD;
	v11 =	vand.u32 $0xFFFFFF80, v16  }
0x8a: {  	v20 =	vld.idx.msk [tilespmem:v6+s8+$0x0], $0xffff;
	v16 =	vand.u32 $0x7F, v16;
	v13 =	vadd.s32 v13, v11;
	v11 =	vmov s31  }
0x8b: {  	v25 =	vor.u32 v16, v13;
	v13 =	vld.idx.msk [tilespmem:v19+s10+$0x0], $0xffff;
	v16 =	vimm.f32 $0.0e+00;
	v18 =	vnsel vm3, $0x0, v18  }
0x8c: {  	v14 =	vld.idx.msk [tilespmem:v12+s10+$0x0], $0xffff;
	v23 =	vnsel vm3, $0x0, v15;
	v22 =	vadd.s32 v1, v25;
	v19 =	vadd.s32 v3, v25  }
0x8d: {  	s13 =	simm.s32 $0x5;
	v24 =	vadd.s32 v5, v25;
	v15 =	vld.idx.msk [tilespmem:v26+s10+$0x0], $0xffff;
	v12 =	vadd.f32 v18, v9;
	v18 =	vimm.f32 $0.0e+00  }
.LBB2_2:
0x8e: {  	p0 =	sne.s32 s13, $0x7;
	v27 =	vnsel vm3, $0x0, v21;
	v26 =	vnsel vm3, $0x0, v8;
	v8 =	vld.idx.msk [tilespmem:v17+s10+$0x0], $0xffff;
	v17 =	vadd.s32 v4, v25  }
0x8f: {  	v9 =	vadd.f32 v23, v9;
	v18 =	vadd.f32 v27, v18  }
.Ltmp0:
0x90: {  	vm3 =	vgt.s32 v10, $0x0;
	v16 =	vadd.f32 v26, v16;
	v21 =	vmovc v20;
	v10 =	vld.idx.msk [tilespmem:v7+s9+$0x0], $0xffff;
	v7 =	vmovc v6;
	v6 =	vmov v11;
	(pc) =	sbr.rel @p0 .LBB2_2-.Ltmp0, $4  }
0x91: {  	v25 =	vnsel vm3, $0x0, v14;
	v20 =	vld.idx.msk [tilespmem:v11+s8+$0x0], $0xffff;
	v11 =	vand.u32 $0xFFFFFF80, v21;
	v23 =	vshll.u32 v7, $0xD  }
0x92: {  	v26 =	vand.u32 $0x7F, v21;
	v12 =	vadd.f32 v25, v12;
	v23 =	vadd.s32 v23, v11;
	v14 =	vld.idx.msk [tilespmem:v24+s10+$0x0], $0xffff  }
0x93: {  	v11 =	vmov s13;
	v21 =	vmovc v15;
	v25 =	vor.u32 v26, v23;
	v23 =	vnsel vm3, $0x0, v13;
	v13 =	vld.idx.msk [tilespmem:v22+s10+$0x0], $0xffff  }
0x94: {  	s13 =	sadd.s32 $0x1, s13;
	v22 =	vadd.s32 v1, v25;
	v24 =	vadd.s32 v5, v25;
	v15 =	vld.idx.msk [tilespmem:v19+s10+$0x0], $0xffff;
	v19 =	vadd.s32 v3, v25  }
0x95: {  	_ =	sdelay $0x3  }
0x96: {  	v26 =	vld.idx.msk [tilespmem:v11+s8+$0x0], $0xffff  }
0x97: {  	v28 =	vshll.u32 v6, $0xD;
	v17 =	vld.idx.msk [tilespmem:v17+s10+$0x0], $0xffff;
	v27 =	vand.u32 $0xFFFFFF80, v20  }
0x98: {  	v25 =	vadd.s32 v4, v25;
	v7 =	vld.idx.msk [tilespmem:v7+s9+$0x0], $0xffff;
	v41 =	vand.u32 $0x7F, v20;
	v27 =	vadd.s32 v28, v27  }
0x99: {  	v24 =	vld.idx.msk [tilespmem:v24+s10+$0x0], $0xffff;
	vm2 =	vgt.s32 v10, $0x0;
	v20 =	vor.u32 v41, v27  }
0x9a: {  	v22 =	vld.idx.msk [tilespmem:v22+s10+$0x0], $0xffff;
	v30 =	vshll.u32 v11, $0xD;
	v14 =	vnsel vm2, $0x0, v14;
	v27 =	vadd.s32 v5, v20  }
0x9b: {  	v19 =	vld.idx.msk [tilespmem:v19+s10+$0x0], $0xffff;
	v13 =	vnsel vm2, $0x0, v13;
	v42 =	vadd.s32 v1, v20;
	v29 =	vand.u32 $0xFFFFFF80, v26  }
0x9c: {  	v6 =	vld.idx.msk [tilespmem:v6+s9+$0x0], $0xffff;
	v43 =	vadd.s32 v3, v20;
	v26 =	vand.u32 $0x7F, v26;
	v29 =	vadd.s32 v30, v29  }
0x9d: {  	v20 =	vadd.s32 v4, v20;
	v50 =	vnsel vm2, $0x0, v15;
	v25 =	vld.idx.msk [tilespmem:v25+s10+$0x0], $0xffff;
	v44 =	vor.u32 v26, v29  }
0x9e: {  	v17 =	vnsel vm2, $0x0, v17;
	vm2 =	vgt.s32 v7, $0x0;
	v7 =	vld.idx.msk [tilespmem:v11+s9+$0x0], $0xffff;
	v46 =	vadd.s32 v1, v44  }
0x9f: {  	v21 =	vnsel vm3, $0x0, v21;
	v9 =	vadd.f32 v23, v9;
	v26 =	vadd.s32 v3, v44;
	v45 =	vld.idx.msk [tilespmem:v27+s10+$0x0], $0xffff  }
0xa0: {  	v8 =	vnsel vm3, $0x0, v8;
	v18 =	vadd.f32 v21, v18;
	v49 =	vadd.s32 v4, v44;
	v47 =	vld.idx.msk [tilespmem:v42+s10+$0x0], $0xffff  }
0xa1: {  	v8 =	vadd.f32 v8, v16;
	v12 =	vadd.f32 v14, v12;
	v51 =	vadd.s32 v5, v44;
	v48 =	vld.idx.msk [tilespmem:v43+s10+$0x0], $0xffff  }
0xa2: {  	v9 =	vadd.f32 v13, v9;
	v13 =	vadd.f32 v50, v18;
	v20 =	vld.idx.msk [tilespmem:v20+s10+$0x0], $0xffff  }
0xa3: {  	v8 =	vadd.f32 v17, v8;
	v52 =	vnsel vm2, $0x0, v24;
	v53 =	vnsel vm2, $0x0, v22;
	v54 =	vld.idx.msk [tilespmem:v46+s10+$0x0], $0xffff  }
0xa4: {  	v19 =	vnsel vm2, $0x0, v19;
	v9 =	vadd.f32 v53, v9;
	v55 =	vnsel vm2, $0x0, v25;
	v56 =	vld.idx.msk [tilespmem:v26+s10+$0x0], $0xffff  }
0xa5: {  	v13 =	vadd.f32 v19, v13;
	vm2 =	vgt.s32 v6, $0x0;
	v6 =	vadd.f32 v55, v8;
	v57 =	vld.idx.msk [tilespmem:v49+s10+$0x0], $0xffff  }
0xa6: {  	v15 =	vld.idx.msk [tilespmem:v51+s10+$0x0], $0xffff;
	v10 =	vnsel vm2, $0x0, v45;
	v16 =	vnsel vm2, $0x0, v47;
	v14 =	vnsel vm2, $0x0, v48  }
0xa7: {  	v58 =	vnsel vm2, $0x0, v20;
	vm2 =	vgt.s32 v7, $0x0;
	v9 =	vadd.f32 v16, v9  }
0xa8: {  	v7 =	vadd.f32 v52, v12;
	v59 =	vadd.f32 v14, v13;
	v60 =	vnsel vm2, $0x0, v54  }
0xa9: {  	v6 =	vadd.f32 v58, v6;
	v61 =	vnsel vm2, $0x0, v56;
	v9 =	vadd.f32 v60, v9  }
0xaa: {  	v7 =	vadd.f32 v10, v7;
	v8 =	vnsel vm2, $0x0, v57;
	v62 =	vadd.f32 v61, v59  }
0xab: {  	v63 =	vnsel vm2, $0x0, v15;
	v6 =	vadd.f32 v8, v6;
	[tilespmem:$0x10180] =	vst v9  }
0xac: {  	s12 =	sadd.s32 $0x1, s12;
	v7 =	vadd.f32 v63, v7;
	[tilespmem:$0x10190] =	vst v62  }
0xad: {  	p0 =	sne.s32 s12, s6;
	[tilespmem:$0x101A0] =	vst v6  }
.Ltmp1:
0xae: {  	[tilespmem:$0x101B0] =	vst v7;
	(pc) =	sbr.rel @p0 .LBB2_1-.Ltmp1, $4  }
0xaf: {  	[hbm4b:s5+s3] =	stream.linear.scatter [tilespmem:s11], [sflag:$0x2], $0x80, $0x38;
	[tilespmem:$0x10200] =	vst v63  }
0xb0: {  	_ =	swait.ge [sflag:s7], $0x80  }
0xb1: {  	[sflag:s7] =	ssyncset.done $0x0  }
0xb2: {  	[sflag:s7] =	ssyncadd.s32 $0xFFFFFF80  }
0xb3: {  	_ =	sfence.sel $0x180000  }
0xb4: {  	[bflag:$0x0] =	sbarrier.arrive $0xFFFF  }
0xb5: {  	p0 =	sne.s32 s0, $0x0;
	_ =	strace $0x90000047  }
0xb6: {  	s0 =	sadd.s32 @!p0 $0x100000, s1;
	[bflag:$0x2] =	sbarrier.arrive $0xFFFF  }
0xb7: {  	[sflag:s0] =	ssyncadd.tile.s32 @!p0 $0x1;
	_ =	shalt  }
.Lfunc_end2:
_tile_overlayer_lowered:
.L_overlay_start_2:
0xb8: {  	(tag) =	ssettag $0x2  }
0xb9: {  	s0 =	rddreg [dreg:$0x0];
	s2 =	stileid.u32  }
0xba: {  	s1 =	rddreg [dreg:$0x1];
	p0 =	sne.s32 s2, $0x0  }
0xbb: {  	s3 =	rddreg [dreg:$0x2];
	[bflag:$0x3] =	sbarrier.arrive $0xFFFF;
	s2 =	simm.s32 @!p0 $0x1C02  }
0xbc: {  	[timem:s3], [sflag:s2] =	dma.local @!p0 [hbm:s0], s1  }
0xbd: {  	s0 =	simm.s32 @!p0 $0x2  }
0xbe: {  	_ =	swait.ge @!p0 [sflag:s0], s1  }
0xbf: {  	s1 =	ssub.s32 @!p0 $0x0, s1;
	[sflag:s0] =	ssyncset.done @!p0 $0x0  }
0xc0: {  	[sflag:s0] =	ssyncadd.s32 @!p0 s1  }
0xc1: {  	[bflag:$0x3] =	sbarrier.arrive $0xFFFF  }
0xc2: {  	_ =	shalt  }

</sc_bundles>
